<compile_context>
chip_gen: v7x
topology: tpu7x:2x2x1
jax: 0.10.2.dev20260603
libtpu: 0.0.44.dev20260713+nightly
codegen_flags: <defaults>
</compile_context>

<pallas_src>
import functools

import jax
import jax.numpy as jnp
from jax import lax
from jax.experimental import pallas as pl
from jax.experimental.pallas import tpu as pltpu
from jax.experimental.pallas import tpu_sc as plsc

EMBED_DIM = 1024
NBINS = 6
BATCH = 16384

_info = plsc.get_sparse_core_info()
_NC, _NS = _info.num_cores, _info.num_subcores
_NW = _NC * _NS
_B_PER_W = BATCH // _NW
_CHUNK = 16
_NBUF = 2
_N_CHUNKS = _B_PER_W // _CHUNK
_CHUNK_ELEMS = _CHUNK * EMBED_DIM

_TC_BLK = 512


def _sc_embed1(idx0, tab_flat):
    mesh = plsc.VectorSubcoreMesh(core_axis_name="c", subcore_axis_name="s")
    flat = jax.ShapeDtypeStruct((BATCH * EMBED_DIM,), jnp.float32)

    @functools.partial(
        pl.kernel,
        out_type=flat,
        mesh=mesh,
        scratch_types=[
            pltpu.VMEM((_B_PER_W,), jnp.int32),
            pltpu.VMEM((NBINS * EMBED_DIM,), jnp.float32),
            [pltpu.VMEM((_CHUNK_ELEMS,), jnp.float32) for _ in range(_NBUF)],
            [pltpu.SemaphoreType.DMA for _ in range(_NBUF)],
        ],
    )
    def body(idx_hbm, tab_hbm, out_hbm, idx_v, tab_v, stage, ssem):
        wid = lax.axis_index("s") * _NC + lax.axis_index("c")
        base = wid * _B_PER_W

        pltpu.sync_copy(tab_hbm, tab_v)
        pltpu.sync_copy(idx_hbm.at[pl.ds(base, _B_PER_W)], idx_v)

        def compute(n, b):
            vec = idx_v[pl.ds(n * _CHUNK, _CHUNK)]
            rb = [vec[j] * EMBED_DIM for j in range(_CHUNK)]

            @plsc.parallel_loop(0, EMBED_DIM // 16, unroll=4)
            def _col(c):
                coff = c * 16
                for j in range(_CHUNK):
                    stage[b][pl.ds(j * EMBED_DIM + coff, 16)] = tab_v[
                        pl.ds(rb[j] + coff, 16)
                    ]

        def scatter(n, b):
            off = (base + n * _CHUNK) * EMBED_DIM
            pltpu.async_copy(
                stage[b], out_hbm.at[pl.ds(off, _CHUNK_ELEMS)], ssem[b]
            )

        def scatter_wait(b):
            pltpu.make_async_copy(
                stage[b], out_hbm.at[pl.ds(0, _CHUNK_ELEMS)], ssem[b]
            ).wait()

        @pl.loop(0, _N_CHUNKS, step=_NBUF)
        def _steady(j):
            for b in range(_NBUF):

                @pl.when(j > 0)
                def _drain():
                    scatter_wait(b)

                compute(j + b, b)
                scatter(j + b, b)

        for b in range(_NBUF):
            scatter_wait(b)

    return body(idx0, tab_flat)


def _tc_body(i1_ref, i2_ref, t1_ref, t2_ref, o1_ref, o2_ref):
    for iref, tref, oref in ((i1_ref, t1_ref, o1_ref), (i2_ref, t2_ref, o2_ref)):
        idx = iref[...]
        oh = (
            idx[:, None] == lax.broadcasted_iota(jnp.int32, (_TC_BLK, 8), 1)
        ).astype(jnp.float32)
        oref[...] = jnp.dot(oh, tref[...], preferred_element_type=jnp.float32)


def _tc_embed2(idx1, idx2, tab1_pad, tab2_pad):
    out = jax.ShapeDtypeStruct((BATCH, EMBED_DIM), jnp.float32)
    return pl.pallas_call(
        _tc_body,
        grid=(BATCH // _TC_BLK,),
        in_specs=[
            pl.BlockSpec((_TC_BLK,), lambda i: (i,)),
            pl.BlockSpec((_TC_BLK,), lambda i: (i,)),
            pl.BlockSpec((8, EMBED_DIM), lambda i: (0, 0)),
            pl.BlockSpec((8, EMBED_DIM), lambda i: (0, 0)),
        ],
        out_specs=[
            pl.BlockSpec((_TC_BLK, EMBED_DIM), lambda i: (i, 0)),
            pl.BlockSpec((_TC_BLK, EMBED_DIM), lambda i: (i, 0)),
        ],
        out_shape=[out, out],
        compiler_params=pltpu.CompilerParams(
            dimension_semantics=("arbitrary",),
        ),
    )(idx1, idx2, tab1_pad, tab2_pad)


def kernel(x, helix_table, sheet_table, turns_table):
    xi = x.astype(jnp.int32)
    pad = jnp.zeros((8 - NBINS, EMBED_DIM), jnp.float32)
    o0 = _sc_embed1(xi[:, 0], helix_table.reshape(-1))
    o1, o2 = _tc_embed2(
        xi[:, 1],
        xi[:, 2],
        jnp.concatenate([sheet_table, pad], axis=0),
        jnp.concatenate([turns_table, pad], axis=0),
    )
    return (o0.reshape(BATCH, EMBED_DIM), o1, o2)

# --- scband reference (transcript-rebuilt; emitter-appended) ---
"""Pipeline reference for scband-secondary-structure-embedding-24919400251916 (READ-ONLY COPY).

The authoritative reference and input builder live on the scoring server;
editing this copy changes nothing except your own understanding.
"""

import jax, jax.numpy as jnp
import numpy as np

EMBED_DIM = 1024
NBINS = 6
BATCH = 16384


def setup_inputs(seed: int = 0) -> dict:
    key = jax.random.key(seed)
    k_x, k_h, k_s, k_t = jax.random.split(key, 4)
    x = jax.random.randint(k_x, (BATCH, 3), 0, NBINS, dtype=jnp.int64 if jax.config.jax_enable_x64 else jnp.int32)
    helix_table = jax.random.normal(k_h, (NBINS, EMBED_DIM), dtype=jnp.float32)
    sheet_table = jax.random.normal(k_s, (NBINS, EMBED_DIM), dtype=jnp.float32)
    turns_table = jax.random.normal(k_t, (NBINS, EMBED_DIM), dtype=jnp.float32)
    return {"x": x, "helix_table": helix_table, "sheet_table": sheet_table, "turns_table": turns_table}


def reference(x, helix_table, sheet_table, turns_table):
    helix = x[:, 0]
    sheet = x[:, 1]
    turns = x[:, 2]
    helix_emb = jnp.take(helix_table, helix, axis=0)
    sheet_emb = jnp.take(sheet_table, sheet, axis=0)
    turns_emb = jnp.take(turns_table, turns, axis=0)
    return (helix_emb, sheet_emb, turns_emb)

if __name__ == "__main__":
    import jax
    _d = setup_inputs()
    print(jax.jit(kernel)(*tuple(_d.values())))

</pallas_src>

<mosaic_0001>
#map = affine_map<(d0, d1) -> (0)>
module attributes {stable_mosaic.version = 14 : i64} {
  func.func @body(%arg0: i32, %arg1: i32, %arg2: memref<16384xi32, #tpu.memory_space<hbm>>, %arg3: memref<6144xf32, #tpu.memory_space<hbm>>, %arg4: memref<16777216xf32, #tpu.memory_space<hbm>>, %arg5: memref<512xi32, #tpu.memory_space<vmem>>, %arg6: memref<6144xf32, #tpu.memory_space<vmem>>, %arg7: memref<16384xf32, #tpu.memory_space<vmem>>, %arg8: memref<16384xf32, #tpu.memory_space<vmem>>, %arg9: memref<!tpu.dma_semaphore, #tpu.memory_space<semaphore_mem>>, %arg10: memref<!tpu.dma_semaphore, #tpu.memory_space<semaphore_mem>>) attributes {dimension_semantics = [#tpu.dimension_semantics<core_parallel>, #tpu.dimension_semantics<subcore_parallel>], iteration_bounds = array<i64: 2, 16>, scalar_prefetch = 0 : i64, scratch_operands = 6 : i64, tpu.core_type = #tpu.core_type<sc_vector_subcore>, window_params = [{transform_indices = #map}, {transform_indices = #map}, {transform_indices = #map}]} {
    %mul3A = arith.constant 2 : i32
    %mul3A_0 = arith.muli %arg1, %mul3A : i32
    %add3A = arith.addi %mul3A_0, %arg0 : i32
    %mul3A_1 = arith.constant 512 : i32
    %mul3A_2 = arith.muli %add3A, %mul3A_1 : i32
    "tpu.region"() ({
      %run_scoped3A = tpu.sem_alloc : memref<!tpu.dma_semaphore, #tpu.memory_space<semaphore_mem>>
      tpu.enqueue_dma source(%arg3 : memref<6144xf32, #tpu.memory_space<hbm>>) target(%arg6 : memref<6144xf32, #tpu.memory_space<vmem>>) target_semaphore(%run_scoped3A : memref<!tpu.dma_semaphore, #tpu.memory_space<semaphore_mem>>)
      tpu.wait_dma2 semaphore(%run_scoped3A : memref<!tpu.dma_semaphore, #tpu.memory_space<semaphore_mem>>) src(%arg3 : memref<6144xf32, #tpu.memory_space<hbm>>) dst(%arg6 : memref<6144xf32, #tpu.memory_space<vmem>>)
      tpu.yield
    }) : () -> ()
    "tpu.region"() ({
      %run_scoped3A = tpu.sem_alloc : memref<!tpu.dma_semaphore, #tpu.memory_space<semaphore_mem>>
      %dma_start3A = tpu.memref_slice %arg2[%mul3A_2] : memref<16384xi32, #tpu.memory_space<hbm>> -> memref<512xi32, #tpu.memory_space<hbm>>
      %dma_start3A_14 = tpu.memref_slice %arg2[%mul3A_2] : memref<16384xi32, #tpu.memory_space<hbm>> -> memref<512xi32, #tpu.memory_space<hbm>>
      tpu.enqueue_dma source(%dma_start3A_14 : memref<512xi32, #tpu.memory_space<hbm>>) target(%arg5 : memref<512xi32, #tpu.memory_space<vmem>>) target_semaphore(%run_scoped3A : memref<!tpu.dma_semaphore, #tpu.memory_space<semaphore_mem>>)
      %dma_wait3A_15 = tpu.memref_slice %arg2[%mul3A_2] : memref<16384xi32, #tpu.memory_space<hbm>> -> memref<512xi32, #tpu.memory_space<hbm>>
      %dma_wait3A_16 = tpu.memref_slice %arg2[%mul3A_2] : memref<16384xi32, #tpu.memory_space<hbm>> -> memref<512xi32, #tpu.memory_space<hbm>>
      tpu.wait_dma2 semaphore(%run_scoped3A : memref<!tpu.dma_semaphore, #tpu.memory_space<semaphore_mem>>) src(%dma_wait3A_16 : memref<512xi32, #tpu.memory_space<hbm>>) dst(%arg5 : memref<512xi32, #tpu.memory_space<vmem>>)
      tpu.yield
    }) : () -> ()
    %scan3A = arith.constant 0 : i32
    %scan3A_3 = arith.constant 16 : i32
    %scan3A_4 = arith.addi %scan3A, %scan3A_3 : i32
    %scan3A_5 = arith.constant 1 : i32
    scf.for %scan3A_14 = %scan3A to %scan3A_4 step %scan3A_5  : i32 {
      %mul3A_15 = arith.constant 2 : i32
      %mul3A_16 = arith.muli %scan3A_14, %mul3A_15 : i32
      %add3A_17 = arith.constant 0 : i32
      %add3A_18 = arith.addi %add3A_17, %mul3A_16 : i32
      %gt3A = arith.constant 0 : i32
      %gt3A_19 = arith.cmpi sgt, %add3A_18, %gt3A : i32
      %convert_element_type3A = arith.extui %gt3A_19 : i1 to i32
      %cond3A = arith.constant 0 : i32
      %cond3A_20 = arith.cmpi ne, %convert_element_type3A, %cond3A : i32
      scf.if %cond3A_20 {
        %dma_wait3A_187 = arith.constant 0 : i32
        %dma_wait3A_188 = tpu.memref_slice %arg4[%dma_wait3A_187] : memref<16777216xf32, #tpu.memory_space<hbm>> -> memref<16384xf32, #tpu.memory_space<hbm>>
        %dma_wait3A_189 = arith.constant 0 : i32
        %dma_wait3A_190 = tpu.memref_slice %arg4[%dma_wait3A_189] : memref<16777216xf32, #tpu.memory_space<hbm>> -> memref<16384xf32, #tpu.memory_space<hbm>>
        tpu.wait_dma2 semaphore(%arg9 : memref<!tpu.dma_semaphore, #tpu.memory_space<semaphore_mem>>) src(%arg7 : memref<16384xf32, #tpu.memory_space<vmem>>) dst(%dma_wait3A_190 : memref<16384xf32, #tpu.memory_space<hbm>>)
      } else {
      }
      %add3A_21 = arith.constant 0 : i32
      %add3A_22 = arith.addi %add3A_18, %add3A_21 : i32
      %mul3A_23 = arith.constant 16 : i32
      %mul3A_24 = arith.muli %add3A_22, %mul3A_23 : i32
      %get3A = arith.index_cast %mul3A_24 : i32 to index
      %get3A_25 = tpu.vector_load %arg5[%get3A] {strides = array<i32>} : memref<512xi32, #tpu.memory_space<vmem>>, vector<16xi32>,
      %get3A_26 = vector.shape_cast %get3A_25 : vector<16xi32> to vector<16xi32>
      %slice3A = vector.extract_strided_slice %get3A_26 {offsets = [0], sizes = [1], strides = [1]} : vector<16xi32> to vector<1xi32>
      %squeeze3A = vector.extract %slice3A[0] : i32 from vector<1xi32>
      %mul3A_27 = arith.constant 1024 : i32
      %mul3A_28 = arith.muli %squeeze3A, %mul3A_27 : i32
      %slice3A_29 = vector.extract_strided_slice %get3A_26 {offsets = [1], sizes = [1], strides = [1]} : vector<16xi32> to vector<1xi32>
      %squeeze3A_30 = vector.extract %slice3A_29[0] : i32 from vector<1xi32>
      %mul3A_31 = arith.constant 1024 : i32
      %mul3A_32 = arith.muli %squeeze3A_30, %mul3A_31 : i32
      %slice3A_33 = vector.extract_strided_slice %get3A_26 {offsets = [2], sizes = [1], strides = [1]} : vector<16xi32> to vector<1xi32>
      %squeeze3A_34 = vector.extract %slice3A_33[0] : i32 from vector<1xi32>
      %mul3A_35 = arith.constant 1024 : i32
      %mul3A_36 = arith.muli %squeeze3A_34, %mul3A_35 : i32
      %slice3A_37 = vector.extract_strided_slice %get3A_26 {offsets = [3], sizes = [1], strides = [1]} : vector<16xi32> to vector<1xi32>
      %squeeze3A_38 = vector.extract %slice3A_37[0] : i32 from vector<1xi32>
      %mul3A_39 = arith.constant 1024 : i32
      %mul3A_40 = arith.muli %squeeze3A_38, %mul3A_39 : i32
      %slice3A_41 = vector.extract_strided_slice %get3A_26 {offsets = [4], sizes = [1], strides = [1]} : vector<16xi32> to vector<1xi32>
      %squeeze3A_42 = vector.extract %slice3A_41[0] : i32 from vector<1xi32>
      %mul3A_43 = arith.constant 1024 : i32
      %mul3A_44 = arith.muli %squeeze3A_42, %mul3A_43 : i32
      %slice3A_45 = vector.extract_strided_slice %get3A_26 {offsets = [5], sizes = [1], strides = [1]} : vector<16xi32> to vector<1xi32>
      %squeeze3A_46 = vector.extract %slice3A_45[0] : i32 from vector<1xi32>
      %mul3A_47 = arith.constant 1024 : i32
      %mul3A_48 = arith.muli %squeeze3A_46, %mul3A_47 : i32
      %slice3A_49 = vector.extract_strided_slice %get3A_26 {offsets = [6], sizes = [1], strides = [1]} : vector<16xi32> to vector<1xi32>
      %squeeze3A_50 = vector.extract %slice3A_49[0] : i32 from vector<1xi32>
      %mul3A_51 = arith.constant 1024 : i32
      %mul3A_52 = arith.muli %squeeze3A_50, %mul3A_51 : i32
      %slice3A_53 = vector.extract_strided_slice %get3A_26 {offsets = [7], sizes = [1], strides = [1]} : vector<16xi32> to vector<1xi32>
      %squeeze3A_54 = vector.extract %slice3A_53[0] : i32 from vector<1xi32>
      %mul3A_55 = arith.constant 1024 : i32
      %mul3A_56 = arith.muli %squeeze3A_54, %mul3A_55 : i32
      %slice3A_57 = vector.extract_strided_slice %get3A_26 {offsets = [8], sizes = [1], strides = [1]} : vector<16xi32> to vector<1xi32>
      %squeeze3A_58 = vector.extract %slice3A_57[0] : i32 from vector<1xi32>
      %mul3A_59 = arith.constant 1024 : i32
      %mul3A_60 = arith.muli %squeeze3A_58, %mul3A_59 : i32
      %slice3A_61 = vector.extract_strided_slice %get3A_26 {offsets = [9], sizes = [1], strides = [1]} : vector<16xi32> to vector<1xi32>
      %squeeze3A_62 = vector.extract %slice3A_61[0] : i32 from vector<1xi32>
      %mul3A_63 = arith.constant 1024 : i32
      %mul3A_64 = arith.muli %squeeze3A_62, %mul3A_63 : i32
      %slice3A_65 = vector.extract_strided_slice %get3A_26 {offsets = [10], sizes = [1], strides = [1]} : vector<16xi32> to vector<1xi32>
      %squeeze3A_66 = vector.extract %slice3A_65[0] : i32 from vector<1xi32>
      %mul3A_67 = arith.constant 1024 : i32
      %mul3A_68 = arith.muli %squeeze3A_66, %mul3A_67 : i32
      %slice3A_69 = vector.extract_strided_slice %get3A_26 {offsets = [11], sizes = [1], strides = [1]} : vector<16xi32> to vector<1xi32>
      %squeeze3A_70 = vector.extract %slice3A_69[0] : i32 from vector<1xi32>
      %mul3A_71 = arith.constant 1024 : i32
      %mul3A_72 = arith.muli %squeeze3A_70, %mul3A_71 : i32
      %slice3A_73 = vector.extract_strided_slice %get3A_26 {offsets = [12], sizes = [1], strides = [1]} : vector<16xi32> to vector<1xi32>
      %squeeze3A_74 = vector.extract %slice3A_73[0] : i32 from vector<1xi32>
      %mul3A_75 = arith.constant 1024 : i32
      %mul3A_76 = arith.muli %squeeze3A_74, %mul3A_75 : i32
      %slice3A_77 = vector.extract_strided_slice %get3A_26 {offsets = [13], sizes = [1], strides = [1]} : vector<16xi32> to vector<1xi32>
      %squeeze3A_78 = vector.extract %slice3A_77[0] : i32 from vector<1xi32>
      %mul3A_79 = arith.constant 1024 : i32
      %mul3A_80 = arith.muli %squeeze3A_78, %mul3A_79 : i32
      %slice3A_81 = vector.extract_strided_slice %get3A_26 {offsets = [14], sizes = [1], strides = [1]} : vector<16xi32> to vector<1xi32>
      %squeeze3A_82 = vector.extract %slice3A_81[0] : i32 from vector<1xi32>
      %mul3A_83 = arith.constant 1024 : i32
      %mul3A_84 = arith.muli %squeeze3A_82, %mul3A_83 : i32
      %slice3A_85 = vector.extract_strided_slice %get3A_26 {offsets = [15], sizes = [1], strides = [1]} : vector<16xi32> to vector<1xi32>
      %squeeze3A_86 = vector.extract %slice3A_85[0] : i32 from vector<1xi32>
      %mul3A_87 = arith.constant 1024 : i32
      %mul3A_88 = arith.muli %squeeze3A_86, %mul3A_87 : i32
      %parallel_loop3A = arith.constant 0 : i32
      %parallel_loop3A_89 = arith.constant 64 : i32
      %parallel_loop3A_90 = arith.constant 1 : i32
      scf.for %parallel_loop3A_187 = %parallel_loop3A to %parallel_loop3A_89 step %parallel_loop3A_90  : i32 {
        %parallel_loop3A_188 = arith.constant 16 : i32
        %parallel_loop3A_189 = arith.muli %parallel_loop3A_187, %parallel_loop3A_188 : i32
        %parallel_loop3A_190 = arith.addi %mul3A_28, %parallel_loop3A_189 : i32
        %parallel_loop3A_191 = arith.index_cast %parallel_loop3A_190 : i32 to index
        %parallel_loop3A_192 = tpu.vector_load %arg6[%parallel_loop3A_191] {strides = array<i32>} : memref<6144xf32, #tpu.memory_space<vmem>>, vector<16xf32>,
        %parallel_loop3A_193 = vector.shape_cast %parallel_loop3A_192 : vector<16xf32> to vector<16xf32>
        %parallel_loop3A_194 = arith.constant 0 : i32
        %parallel_loop3A_195 = arith.addi %parallel_loop3A_194, %parallel_loop3A_189 : i32
        %parallel_loop3A_196 = arith.index_cast %parallel_loop3A_195 : i32 to index
        %parallel_loop3A_197 = tpu.vector_load %arg7[%parallel_loop3A_196] {strides = array<i32>} : memref<16384xf32, #tpu.memory_space<vmem>>, vector<16xf32>,
        %parallel_loop3A_198 = vector.shape_cast %parallel_loop3A_197 : vector<16xf32> to vector<16xf32>
        %parallel_loop3A_199 = vector.shape_cast %parallel_loop3A_193 : vector<16xf32> to vector<16xf32>
        tpu.vector_store %arg7[%parallel_loop3A_196], %parallel_loop3A_199 {strides = array<i32>} : memref<16384xf32, #tpu.memory_space<vmem>>, vector<16xf32>,
        %parallel_loop3A_200 = arith.addi %mul3A_32, %parallel_loop3A_189 : i32
        %parallel_loop3A_201 = arith.index_cast %parallel_loop3A_200 : i32 to index
        %parallel_loop3A_202 = tpu.vector_load %arg6[%parallel_loop3A_201] {strides = array<i32>} : memref<6144xf32, #tpu.memory_space<vmem>>, vector<16xf32>,
        %parallel_loop3A_203 = vector.shape_cast %parallel_loop3A_202 : vector<16xf32> to vector<16xf32>
        %parallel_loop3A_204 = arith.constant 1024 : i32
        %parallel_loop3A_205 = arith.addi %parallel_loop3A_204, %parallel_loop3A_189 : i32
        %parallel_loop3A_206 = arith.index_cast %parallel_loop3A_205 : i32 to index
        %parallel_loop3A_207 = tpu.vector_load %arg7[%parallel_loop3A_206] {strides = array<i32>} : memref<16384xf32, #tpu.memory_space<vmem>>, vector<16xf32>,
        %parallel_loop3A_208 = vector.shape_cast %parallel_loop3A_207 : vector<16xf32> to vector<16xf32>
        %parallel_loop3A_209 = vector.shape_cast %parallel_loop3A_203 : vector<16xf32> to vector<16xf32>
        tpu.vector_store %arg7[%parallel_loop3A_206], %parallel_loop3A_209 {strides = array<i32>} : memref<16384xf32, #tpu.memory_space<vmem>>, vector<16xf32>,
        %parallel_loop3A_210 = arith.addi %mul3A_36, %parallel_loop3A_189 : i32
        %parallel_loop3A_211 = arith.index_cast %parallel_loop3A_210 : i32 to index
        %parallel_loop3A_212 = tpu.vector_load %arg6[%parallel_loop3A_211] {strides = array<i32>} : memref<6144xf32, #tpu.memory_space<vmem>>, vector<16xf32>,
        %parallel_loop3A_213 = vector.shape_cast %parallel_loop3A_212 : vector<16xf32> to vector<16xf32>
        %parallel_loop3A_214 = arith.constant 2048 : i32
        %parallel_loop3A_215 = arith.addi %parallel_loop3A_214, %parallel_loop3A_189 : i32
        %parallel_loop3A_216 = arith.index_cast %parallel_loop3A_215 : i32 to index
        %parallel_loop3A_217 = tpu.vector_load %arg7[%parallel_loop3A_216] {strides = array<i32>} : memref<16384xf32, #tpu.memory_space<vmem>>, vector<16xf32>,
        %parallel_loop3A_218 = vector.shape_cast %parallel_loop3A_217 : vector<16xf32> to vector<16xf32>
        %parallel_loop3A_219 = vector.shape_cast %parallel_loop3A_213 : vector<16xf32> to vector<16xf32>
        tpu.vector_store %arg7[%parallel_loop3A_216], %parallel_loop3A_219 {strides = array<i32>} : memref<16384xf32, #tpu.memory_space<vmem>>, vector<16xf32>,
        %parallel_loop3A_220 = arith.addi %mul3A_40, %parallel_loop3A_189 : i32
        %parallel_loop3A_221 = arith.index_cast %parallel_loop3A_220 : i32 to index
        %parallel_loop3A_222 = tpu.vector_load %arg6[%parallel_loop3A_221] {strides = array<i32>} : memref<6144xf32, #tpu.memory_space<vmem>>, vector<16xf32>,
        %parallel_loop3A_223 = vector.shape_cast %parallel_loop3A_222 : vector<16xf32> to vector<16xf32>
        %parallel_loop3A_224 = arith.constant 3072 : i32
        %parallel_loop3A_225 = arith.addi %parallel_loop3A_224, %parallel_loop3A_189 : i32
        %parallel_loop3A_226 = arith.index_cast %parallel_loop3A_225 : i32 to index
        %parallel_loop3A_227 = tpu.vector_load %arg7[%parallel_loop3A_226] {strides = array<i32>} : memref<16384xf32, #tpu.memory_space<vmem>>, vector<16xf32>,
        %parallel_loop3A_228 = vector.shape_cast %parallel_loop3A_227 : vector<16xf32> to vector<16xf32>
        %parallel_loop3A_229 = vector.shape_cast %parallel_loop3A_223 : vector<16xf32> to vector<16xf32>
        tpu.vector_store %arg7[%parallel_loop3A_226], %parallel_loop3A_229 {strides = array<i32>} : memref<16384xf32, #tpu.memory_space<vmem>>, vector<16xf32>,
        %parallel_loop3A_230 = arith.addi %mul3A_44, %parallel_loop3A_189 : i32
        %parallel_loop3A_231 = arith.index_cast %parallel_loop3A_230 : i32 to index
        %parallel_loop3A_232 = tpu.vector_load %arg6[%parallel_loop3A_231] {strides = array<i32>} : memref<6144xf32, #tpu.memory_space<vmem>>, vector<16xf32>,
        %parallel_loop3A_233 = vector.shape_cast %parallel_loop3A_232 : vector<16xf32> to vector<16xf32>
        %parallel_loop3A_234 = arith.constant 4096 : i32
        %parallel_loop3A_235 = arith.addi %parallel_loop3A_234, %parallel_loop3A_189 : i32
        %parallel_loop3A_236 = arith.index_cast %parallel_loop3A_235 : i32 to index
        %parallel_loop3A_237 = tpu.vector_load %arg7[%parallel_loop3A_236] {strides = array<i32>} : memref<16384xf32, #tpu.memory_space<vmem>>, vector<16xf32>,
        %parallel_loop3A_238 = vector.shape_cast %parallel_loop3A_237 : vector<16xf32> to vector<16xf32>
        %parallel_loop3A_239 = vector.shape_cast %parallel_loop3A_233 : vector<16xf32> to vector<16xf32>
        tpu.vector_store %arg7[%parallel_loop3A_236], %parallel_loop3A_239 {strides = array<i32>} : memref<16384xf32, #tpu.memory_space<vmem>>, vector<16xf32>,
        %parallel_loop3A_240 = arith.addi %mul3A_48, %parallel_loop3A_189 : i32
        %parallel_loop3A_241 = arith.index_cast %parallel_loop3A_240 : i32 to index
        %parallel_loop3A_242 = tpu.vector_load %arg6[%parallel_loop3A_241] {strides = array<i32>} : memref<6144xf32, #tpu.memory_space<vmem>>, vector<16xf32>,
        %parallel_loop3A_243 = vector.shape_cast %parallel_loop3A_242 : vector<16xf32> to vector<16xf32>
        %parallel_loop3A_244 = arith.constant 5120 : i32
        %parallel_loop3A_245 = arith.addi %parallel_loop3A_244, %parallel_loop3A_189 : i32
        %parallel_loop3A_246 = arith.index_cast %parallel_loop3A_245 : i32 to index
        %parallel_loop3A_247 = tpu.vector_load %arg7[%parallel_loop3A_246] {strides = array<i32>} : memref<16384xf32, #tpu.memory_space<vmem>>, vector<16xf32>,
        %parallel_loop3A_248 = vector.shape_cast %parallel_loop3A_247 : vector<16xf32> to vector<16xf32>
        %parallel_loop3A_249 = vector.shape_cast %parallel_loop3A_243 : vector<16xf32> to vector<16xf32>
        tpu.vector_store %arg7[%parallel_loop3A_246], %parallel_loop3A_249 {strides = array<i32>} : memref<16384xf32, #tpu.memory_space<vmem>>, vector<16xf32>,
        %parallel_loop3A_250 = arith.addi %mul3A_52, %parallel_loop3A_189 : i32
        %parallel_loop3A_251 = arith.index_cast %parallel_loop3A_250 : i32 to index
        %parallel_loop3A_252 = tpu.vector_load %arg6[%parallel_loop3A_251] {strides = array<i32>} : memref<6144xf32, #tpu.memory_space<vmem>>, vector<16xf32>,
        %parallel_loop3A_253 = vector.shape_cast %parallel_loop3A_252 : vector<16xf32> to vector<16xf32>
        %parallel_loop3A_254 = arith.constant 6144 : i32
        %parallel_loop3A_255 = arith.addi %parallel_loop3A_254, %parallel_loop3A_189 : i32
        %parallel_loop3A_256 = arith.index_cast %parallel_loop3A_255 : i32 to index
        %parallel_loop3A_257 = tpu.vector_load %arg7[%parallel_loop3A_256] {strides = array<i32>} : memref<16384xf32, #tpu.memory_space<vmem>>, vector<16xf32>,
        %parallel_loop3A_258 = vector.shape_cast %parallel_loop3A_257 : vector<16xf32> to vector<16xf32>
        %parallel_loop3A_259 = vector.shape_cast %parallel_loop3A_253 : vector<16xf32> to vector<16xf32>
        tpu.vector_store %arg7[%parallel_loop3A_256], %parallel_loop3A_259 {strides = array<i32>} : memref<16384xf32, #tpu.memory_space<vmem>>, vector<16xf32>,
        %parallel_loop3A_260 = arith.addi %mul3A_56, %parallel_loop3A_189 : i32
        %parallel_loop3A_261 = arith.index_cast %parallel_loop3A_260 : i32 to index
        %parallel_loop3A_262 = tpu.vector_load %arg6[%parallel_loop3A_261] {strides = array<i32>} : memref<6144xf32, #tpu.memory_space<vmem>>, vector<16xf32>,
        %parallel_loop3A_263 = vector.shape_cast %parallel_loop3A_262 : vector<16xf32> to vector<16xf32>
        %parallel_loop3A_264 = arith.constant 7168 : i32
        %parallel_loop3A_265 = arith.addi %parallel_loop3A_264, %parallel_loop3A_189 : i32
        %parallel_loop3A_266 = arith.index_cast %parallel_loop3A_265 : i32 to index
        %parallel_loop3A_267 = tpu.vector_load %arg7[%parallel_loop3A_266] {strides = array<i32>} : memref<16384xf32, #tpu.memory_space<vmem>>, vector<16xf32>,
        %parallel_loop3A_268 = vector.shape_cast %parallel_loop3A_267 : vector<16xf32> to vector<16xf32>
        %parallel_loop3A_269 = vector.shape_cast %parallel_loop3A_263 : vector<16xf32> to vector<16xf32>
        tpu.vector_store %arg7[%parallel_loop3A_266], %parallel_loop3A_269 {strides = array<i32>} : memref<16384xf32, #tpu.memory_space<vmem>>, vector<16xf32>,
        %parallel_loop3A_270 = arith.addi %mul3A_60, %parallel_loop3A_189 : i32
        %parallel_loop3A_271 = arith.index_cast %parallel_loop3A_270 : i32 to index
        %parallel_loop3A_272 = tpu.vector_load %arg6[%parallel_loop3A_271] {strides = array<i32>} : memref<6144xf32, #tpu.memory_space<vmem>>, vector<16xf32>,
        %parallel_loop3A_273 = vector.shape_cast %parallel_loop3A_272 : vector<16xf32> to vector<16xf32>
        %parallel_loop3A_274 = arith.constant 8192 : i32
        %parallel_loop3A_275 = arith.addi %parallel_loop3A_274, %parallel_loop3A_189 : i32
        %parallel_loop3A_276 = arith.index_cast %parallel_loop3A_275 : i32 to index
        %parallel_loop3A_277 = tpu.vector_load %arg7[%parallel_loop3A_276] {strides = array<i32>} : memref<16384xf32, #tpu.memory_space<vmem>>, vector<16xf32>,
        %parallel_loop3A_278 = vector.shape_cast %parallel_loop3A_277 : vector<16xf32> to vector<16xf32>
        %parallel_loop3A_279 = vector.shape_cast %parallel_loop3A_273 : vector<16xf32> to vector<16xf32>
        tpu.vector_store %arg7[%parallel_loop3A_276], %parallel_loop3A_279 {strides = array<i32>} : memref<16384xf32, #tpu.memory_space<vmem>>, vector<16xf32>,
        %parallel_loop3A_280 = arith.addi %mul3A_64, %parallel_loop3A_189 : i32
        %parallel_loop3A_281 = arith.index_cast %parallel_loop3A_280 : i32 to index
        %parallel_loop3A_282 = tpu.vector_load %arg6[%parallel_loop3A_281] {strides = array<i32>} : memref<6144xf32, #tpu.memory_space<vmem>>, vector<16xf32>,
        %parallel_loop3A_283 = vector.shape_cast %parallel_loop3A_282 : vector<16xf32> to vector<16xf32>
        %parallel_loop3A_284 = arith.constant 9216 : i32
        %parallel_loop3A_285 = arith.addi %parallel_loop3A_284, %parallel_loop3A_189 : i32
        %parallel_loop3A_286 = arith.index_cast %parallel_loop3A_285 : i32 to index
        %parallel_loop3A_287 = tpu.vector_load %arg7[%parallel_loop3A_286] {strides = array<i32>} : memref<16384xf32, #tpu.memory_space<vmem>>, vector<16xf32>,
        %parallel_loop3A_288 = vector.shape_cast %parallel_loop3A_287 : vector<16xf32> to vector<16xf32>
        %parallel_loop3A_289 = vector.shape_cast %parallel_loop3A_283 : vector<16xf32> to vector<16xf32>
        tpu.vector_store %arg7[%parallel_loop3A_286], %parallel_loop3A_289 {strides = array<i32>} : memref<16384xf32, #tpu.memory_space<vmem>>, vector<16xf32>,
        %parallel_loop3A_290 = arith.addi %mul3A_68, %parallel_loop3A_189 : i32
        %parallel_loop3A_291 = arith.index_cast %parallel_loop3A_290 : i32 to index
        %parallel_loop3A_292 = tpu.vector_load %arg6[%parallel_loop3A_291] {strides = array<i32>} : memref<6144xf32, #tpu.memory_space<vmem>>, vector<16xf32>,
        %parallel_loop3A_293 = vector.shape_cast %parallel_loop3A_292 : vector<16xf32> to vector<16xf32>
        %parallel_loop3A_294 = arith.constant 10240 : i32
        %parallel_loop3A_295 = arith.addi %parallel_loop3A_294, %parallel_loop3A_189 : i32
        %parallel_loop3A_296 = arith.index_cast %parallel_loop3A_295 : i32 to index
        %parallel_loop3A_297 = tpu.vector_load %arg7[%parallel_loop3A_296] {strides = array<i32>} : memref<16384xf32, #tpu.memory_space<vmem>>, vector<16xf32>,
        %parallel_loop3A_298 = vector.shape_cast %parallel_loop3A_297 : vector<16xf32> to vector<16xf32>
        %parallel_loop3A_299 = vector.shape_cast %parallel_loop3A_293 : vector<16xf32> to vector<16xf32>
        tpu.vector_store %arg7[%parallel_loop3A_296], %parallel_loop3A_299 {strides = array<i32>} : memref<16384xf32, #tpu.memory_space<vmem>>, vector<16xf32>,
        %parallel_loop3A_300 = arith.addi %mul3A_72, %parallel_loop3A_189 : i32
        %parallel_loop3A_301 = arith.index_cast %parallel_loop3A_300 : i32 to index
        %parallel_loop3A_302 = tpu.vector_load %arg6[%parallel_loop3A_301] {strides = array<i32>} : memref<6144xf32, #tpu.memory_space<vmem>>, vector<16xf32>,
        %parallel_loop3A_303 = vector.shape_cast %parallel_loop3A_302 : vector<16xf32> to vector<16xf32>
        %parallel_loop3A_304 = arith.constant 11264 : i32
        %parallel_loop3A_305 = arith.addi %parallel_loop3A_304, %parallel_loop3A_189 : i32
        %parallel_loop3A_306 = arith.index_cast %parallel_loop3A_305 : i32 to index
        %parallel_loop3A_307 = tpu.vector_load %arg7[%parallel_loop3A_306] {strides = array<i32>} : memref<16384xf32, #tpu.memory_space<vmem>>, vector<16xf32>,
        %parallel_loop3A_308 = vector.shape_cast %parallel_loop3A_307 : vector<16xf32> to vector<16xf32>
        %parallel_loop3A_309 = vector.shape_cast %parallel_loop3A_303 : vector<16xf32> to vector<16xf32>
        tpu.vector_store %arg7[%parallel_loop3A_306], %parallel_loop3A_309 {strides = array<i32>} : memref<16384xf32, #tpu.memory_space<vmem>>, vector<16xf32>,
        %parallel_loop3A_310 = arith.addi %mul3A_76, %parallel_loop3A_189 : i32
        %parallel_loop3A_311 = arith.index_cast %parallel_loop3A_310 : i32 to index
        %parallel_loop3A_312 = tpu.vector_load %arg6[%parallel_loop3A_311] {strides = array<i32>} : memref<6144xf32, #tpu.memory_space<vmem>>, vector<16xf32>,
        %parallel_loop3A_313 = vector.shape_cast %parallel_loop3A_312 : vector<16xf32> to vector<16xf32>
        %parallel_loop3A_314 = arith.constant 12288 : i32
        %parallel_loop3A_315 = arith.addi %parallel_loop3A_314, %parallel_loop3A_189 : i32
        %parallel_loop3A_316 = arith.index_cast %parallel_loop3A_315 : i32 to index
        %parallel_loop3A_317 = tpu.vector_load %arg7[%parallel_loop3A_316] {strides = array<i32>} : memref<16384xf32, #tpu.memory_space<vmem>>, vector<16xf32>,
        %parallel_loop3A_318 = vector.shape_cast %parallel_loop3A_317 : vector<16xf32> to vector<16xf32>
        %parallel_loop3A_319 = vector.shape_cast %parallel_loop3A_313 : vector<16xf32> to vector<16xf32>
        tpu.vector_store %arg7[%parallel_loop3A_316], %parallel_loop3A_319 {strides = array<i32>} : memref<16384xf32, #tpu.memory_space<vmem>>, vector<16xf32>,
        %parallel_loop3A_320 = arith.addi %mul3A_80, %parallel_loop3A_189 : i32
        %parallel_loop3A_321 = arith.index_cast %parallel_loop3A_320 : i32 to index
        %parallel_loop3A_322 = tpu.vector_load %arg6[%parallel_loop3A_321] {strides = array<i32>} : memref<6144xf32, #tpu.memory_space<vmem>>, vector<16xf32>,
        %parallel_loop3A_323 = vector.shape_cast %parallel_loop3A_322 : vector<16xf32> to vector<16xf32>
        %parallel_loop3A_324 = arith.constant 13312 : i32
        %parallel_loop3A_325 = arith.addi %parallel_loop3A_324, %parallel_loop3A_189 : i32
        %parallel_loop3A_326 = arith.index_cast %parallel_loop3A_325 : i32 to index
        %parallel_loop3A_327 = tpu.vector_load %arg7[%parallel_loop3A_326] {strides = array<i32>} : memref<16384xf32, #tpu.memory_space<vmem>>, vector<16xf32>,
        %parallel_loop3A_328 = vector.shape_cast %parallel_loop3A_327 : vector<16xf32> to vector<16xf32>
        %parallel_loop3A_329 = vector.shape_cast %parallel_loop3A_323 : vector<16xf32> to vector<16xf32>
        tpu.vector_store %arg7[%parallel_loop3A_326], %parallel_loop3A_329 {strides = array<i32>} : memref<16384xf32, #tpu.memory_space<vmem>>, vector<16xf32>,
        %parallel_loop3A_330 = arith.addi %mul3A_84, %parallel_loop3A_189 : i32
        %parallel_loop3A_331 = arith.index_cast %parallel_loop3A_330 : i32 to index
        %parallel_loop3A_332 = tpu.vector_load %arg6[%parallel_loop3A_331] {strides = array<i32>} : memref<6144xf32, #tpu.memory_space<vmem>>, vector<16xf32>,
        %parallel_loop3A_333 = vector.shape_cast %parallel_loop3A_332 : vector<16xf32> to vector<16xf32>
        %parallel_loop3A_334 = arith.constant 14336 : i32
        %parallel_loop3A_335 = arith.addi %parallel_loop3A_334, %parallel_loop3A_189 : i32
        %parallel_loop3A_336 = arith.index_cast %parallel_loop3A_335 : i32 to index
        %parallel_loop3A_337 = tpu.vector_load %arg7[%parallel_loop3A_336] {strides = array<i32>} : memref<16384xf32, #tpu.memory_space<vmem>>, vector<16xf32>,
        %parallel_loop3A_338 = vector.shape_cast %parallel_loop3A_337 : vector<16xf32> to vector<16xf32>
        %parallel_loop3A_339 = vector.shape_cast %parallel_loop3A_333 : vector<16xf32> to vector<16xf32>
        tpu.vector_store %arg7[%parallel_loop3A_336], %parallel_loop3A_339 {strides = array<i32>} : memref<16384xf32, #tpu.memory_space<vmem>>, vector<16xf32>,
        %parallel_loop3A_340 = arith.addi %mul3A_88, %parallel_loop3A_189 : i32
        %parallel_loop3A_341 = arith.index_cast %parallel_loop3A_340 : i32 to index
        %parallel_loop3A_342 = tpu.vector_load %arg6[%parallel_loop3A_341] {strides = array<i32>} : memref<6144xf32, #tpu.memory_space<vmem>>, vector<16xf32>,
        %parallel_loop3A_343 = vector.shape_cast %parallel_loop3A_342 : vector<16xf32> to vector<16xf32>
        %parallel_loop3A_344 = arith.constant 15360 : i32
        %parallel_loop3A_345 = arith.addi %parallel_loop3A_344, %parallel_loop3A_189 : i32
        %parallel_loop3A_346 = arith.index_cast %parallel_loop3A_345 : i32 to index
        %parallel_loop3A_347 = tpu.vector_load %arg7[%parallel_loop3A_346] {strides = array<i32>} : memref<16384xf32, #tpu.memory_space<vmem>>, vector<16xf32>,
        %parallel_loop3A_348 = vector.shape_cast %parallel_loop3A_347 : vector<16xf32> to vector<16xf32>
        %parallel_loop3A_349 = vector.shape_cast %parallel_loop3A_343 : vector<16xf32> to vector<16xf32>
        tpu.vector_store %arg7[%parallel_loop3A_346], %parallel_loop3A_349 {strides = array<i32>} : memref<16384xf32, #tpu.memory_space<vmem>>, vector<16xf32>,
      } {sc.loop_unroll_factor = 4 : i64, sc.parallel_access}
      %add3A_91 = arith.constant 0 : i32
      %add3A_92 = arith.addi %add3A_18, %add3A_91 : i32
      %mul3A_93 = arith.constant 16 : i32
      %mul3A_94 = arith.muli %add3A_92, %mul3A_93 : i32
      %add3A_95 = arith.addi %mul3A_2, %mul3A_94 : i32
      %mul3A_96 = arith.constant 1024 : i32
      %mul3A_97 = arith.muli %add3A_95, %mul3A_96 : i32
      %dma_start3A = tpu.memref_slice %arg4[%mul3A_97] : memref<16777216xf32, #tpu.memory_space<hbm>> -> memref<16384xf32, #tpu.memory_space<hbm>>
      %dma_start3A_98 = tpu.memref_slice %arg4[%mul3A_97] : memref<16777216xf32, #tpu.memory_space<hbm>> -> memref<16384xf32, #tpu.memory_space<hbm>>
      tpu.enqueue_dma source(%arg7 : memref<16384xf32, #tpu.memory_space<vmem>>) target(%dma_start3A_98 : memref<16384xf32, #tpu.memory_space<hbm>>) target_semaphore(%arg9 : memref<!tpu.dma_semaphore, #tpu.memory_space<semaphore_mem>>)
      %gt3A_99 = arith.constant 0 : i32
      %gt3A_100 = arith.cmpi sgt, %add3A_18, %gt3A_99 : i32
      %convert_element_type3A_101 = arith.extui %gt3A_100 : i1 to i32
      %cond3A_102 = arith.constant 0 : i32
      %cond3A_103 = arith.cmpi ne, %convert_element_type3A_101, %cond3A_102 : i32
      scf.if %cond3A_103 {
        %dma_wait3A_187 = arith.constant 0 : i32
        %dma_wait3A_188 = tpu.memref_slice %arg4[%dma_wait3A_187] : memref<16777216xf32, #tpu.memory_space<hbm>> -> memref<16384xf32, #tpu.memory_space<hbm>>
        %dma_wait3A_189 = arith.constant 0 : i32
        %dma_wait3A_190 = tpu.memref_slice %arg4[%dma_wait3A_189] : memref<16777216xf32, #tpu.memory_space<hbm>> -> memref<16384xf32, #tpu.memory_space<hbm>>
        tpu.wait_dma2 semaphore(%arg10 : memref<!tpu.dma_semaphore, #tpu.memory_space<semaphore_mem>>) src(%arg8 : memref<16384xf32, #tpu.memory_space<vmem>>) dst(%dma_wait3A_190 : memref<16384xf32, #tpu.memory_space<hbm>>)
      } else {
      }
      %add3A_104 = arith.constant 1 : i32
      %add3A_105 = arith.addi %add3A_18, %add3A_104 : i32
      %mul3A_106 = arith.constant 16 : i32
      %mul3A_107 = arith.muli %add3A_105, %mul3A_106 : i32
      %get3A_108 = arith.index_cast %mul3A_107 : i32 to index
      %get3A_109 = tpu.vector_load %arg5[%get3A_108] {strides = array<i32>} : memref<512xi32, #tpu.memory_space<vmem>>, vector<16xi32>,
      %get3A_110 = vector.shape_cast %get3A_109 : vector<16xi32> to vector<16xi32>
      %slice3A_111 = vector.extract_strided_slice %get3A_110 {offsets = [0], sizes = [1], strides = [1]} : vector<16xi32> to vector<1xi32>
      %squeeze3A_112 = vector.extract %slice3A_111[0] : i32 from vector<1xi32>
      %mul3A_113 = arith.constant 1024 : i32
      %mul3A_114 = arith.muli %squeeze3A_112, %mul3A_113 : i32
      %slice3A_115 = vector.extract_strided_slice %get3A_110 {offsets = [1], sizes = [1], strides = [1]} : vector<16xi32> to vector<1xi32>
      %squeeze3A_116 = vector.extract %slice3A_115[0] : i32 from vector<1xi32>
      %mul3A_117 = arith.constant 1024 : i32
      %mul3A_118 = arith.muli %squeeze3A_116, %mul3A_117 : i32
      %slice3A_119 = vector.extract_strided_slice %get3A_110 {offsets = [2], sizes = [1], strides = [1]} : vector<16xi32> to vector<1xi32>
      %squeeze3A_120 = vector.extract %slice3A_119[0] : i32 from vector<1xi32>
      %mul3A_121 = arith.constant 1024 : i32
      %mul3A_122 = arith.muli %squeeze3A_120, %mul3A_121 : i32
      %slice3A_123 = vector.extract_strided_slice %get3A_110 {offsets = [3], sizes = [1], strides = [1]} : vector<16xi32> to vector<1xi32>
      %squeeze3A_124 = vector.extract %slice3A_123[0] : i32 from vector<1xi32>
      %mul3A_125 = arith.constant 1024 : i32
      %mul3A_126 = arith.muli %squeeze3A_124, %mul3A_125 : i32
      %slice3A_127 = vector.extract_strided_slice %get3A_110 {offsets = [4], sizes = [1], strides = [1]} : vector<16xi32> to vector<1xi32>
      %squeeze3A_128 = vector.extract %slice3A_127[0] : i32 from vector<1xi32>
      %mul3A_129 = arith.constant 1024 : i32
      %mul3A_130 = arith.muli %squeeze3A_128, %mul3A_129 : i32
      %slice3A_131 = vector.extract_strided_slice %get3A_110 {offsets = [5], sizes = [1], strides = [1]} : vector<16xi32> to vector<1xi32>
      %squeeze3A_132 = vector.extract %slice3A_131[0] : i32 from vector<1xi32>
      %mul3A_133 = arith.constant 1024 : i32
      %mul3A_134 = arith.muli %squeeze3A_132, %mul3A_133 : i32
      %slice3A_135 = vector.extract_strided_slice %get3A_110 {offsets = [6], sizes = [1], strides = [1]} : vector<16xi32> to vector<1xi32>
      %squeeze3A_136 = vector.extract %slice3A_135[0] : i32 from vector<1xi32>
      %mul3A_137 = arith.constant 1024 : i32
      %mul3A_138 = arith.muli %squeeze3A_136, %mul3A_137 : i32
      %slice3A_139 = vector.extract_strided_slice %get3A_110 {offsets = [7], sizes = [1], strides = [1]} : vector<16xi32> to vector<1xi32>
      %squeeze3A_140 = vector.extract %slice3A_139[0] : i32 from vector<1xi32>
      %mul3A_141 = arith.constant 1024 : i32
      %mul3A_142 = arith.muli %squeeze3A_140, %mul3A_141 : i32
      %slice3A_143 = vector.extract_strided_slice %get3A_110 {offsets = [8], sizes = [1], strides = [1]} : vector<16xi32> to vector<1xi32>
      %squeeze3A_144 = vector.extract %slice3A_143[0] : i32 from vector<1xi32>
      %mul3A_145 = arith.constant 1024 : i32
      %mul3A_146 = arith.muli %squeeze3A_144, %mul3A_145 : i32
      %slice3A_147 = vector.extract_strided_slice %get3A_110 {offsets = [9], sizes = [1], strides = [1]} : vector<16xi32> to vector<1xi32>
      %squeeze3A_148 = vector.extract %slice3A_147[0] : i32 from vector<1xi32>
      %mul3A_149 = arith.constant 1024 : i32
      %mul3A_150 = arith.muli %squeeze3A_148, %mul3A_149 : i32
      %slice3A_151 = vector.extract_strided_slice %get3A_110 {offsets = [10], sizes = [1], strides = [1]} : vector<16xi32> to vector<1xi32>
      %squeeze3A_152 = vector.extract %slice3A_151[0] : i32 from vector<1xi32>
      %mul3A_153 = arith.constant 1024 : i32
      %mul3A_154 = arith.muli %squeeze3A_152, %mul3A_153 : i32
      %slice3A_155 = vector.extract_strided_slice %get3A_110 {offsets = [11], sizes = [1], strides = [1]} : vector<16xi32> to vector<1xi32>
      %squeeze3A_156 = vector.extract %slice3A_155[0] : i32 from vector<1xi32>
      %mul3A_157 = arith.constant 1024 : i32
      %mul3A_158 = arith.muli %squeeze3A_156, %mul3A_157 : i32
      %slice3A_159 = vector.extract_strided_slice %get3A_110 {offsets = [12], sizes = [1], strides = [1]} : vector<16xi32> to vector<1xi32>
      %squeeze3A_160 = vector.extract %slice3A_159[0] : i32 from vector<1xi32>
      %mul3A_161 = arith.constant 1024 : i32
      %mul3A_162 = arith.muli %squeeze3A_160, %mul3A_161 : i32
      %slice3A_163 = vector.extract_strided_slice %get3A_110 {offsets = [13], sizes = [1], strides = [1]} : vector<16xi32> to vector<1xi32>
      %squeeze3A_164 = vector.extract %slice3A_163[0] : i32 from vector<1xi32>
      %mul3A_165 = arith.constant 1024 : i32
      %mul3A_166 = arith.muli %squeeze3A_164, %mul3A_165 : i32
      %slice3A_167 = vector.extract_strided_slice %get3A_110 {offsets = [14], sizes = [1], strides = [1]} : vector<16xi32> to vector<1xi32>
      %squeeze3A_168 = vector.extract %slice3A_167[0] : i32 from vector<1xi32>
      %mul3A_169 = arith.constant 1024 : i32
      %mul3A_170 = arith.muli %squeeze3A_168, %mul3A_169 : i32
      %slice3A_171 = vector.extract_strided_slice %get3A_110 {offsets = [15], sizes = [1], strides = [1]} : vector<16xi32> to vector<1xi32>
      %squeeze3A_172 = vector.extract %slice3A_171[0] : i32 from vector<1xi32>
      %mul3A_173 = arith.constant 1024 : i32
      %mul3A_174 = arith.muli %squeeze3A_172, %mul3A_173 : i32
      %parallel_loop3A_175 = arith.constant 0 : i32
      %parallel_loop3A_176 = arith.constant 64 : i32
      %parallel_loop3A_177 = arith.constant 1 : i32
      scf.for %parallel_loop3A_187 = %parallel_loop3A_175 to %parallel_loop3A_176 step %parallel_loop3A_177  : i32 {
        %parallel_loop3A_188 = arith.constant 16 : i32
        %parallel_loop3A_189 = arith.muli %parallel_loop3A_187, %parallel_loop3A_188 : i32
        %parallel_loop3A_190 = arith.addi %mul3A_114, %parallel_loop3A_189 : i32
        %parallel_loop3A_191 = arith.index_cast %parallel_loop3A_190 : i32 to index
        %parallel_loop3A_192 = tpu.vector_load %arg6[%parallel_loop3A_191] {strides = array<i32>} : memref<6144xf32, #tpu.memory_space<vmem>>, vector<16xf32>,
        %parallel_loop3A_193 = vector.shape_cast %parallel_loop3A_192 : vector<16xf32> to vector<16xf32>
        %parallel_loop3A_194 = arith.constant 0 : i32
        %parallel_loop3A_195 = arith.addi %parallel_loop3A_194, %parallel_loop3A_189 : i32
        %parallel_loop3A_196 = arith.index_cast %parallel_loop3A_195 : i32 to index
        %parallel_loop3A_197 = tpu.vector_load %arg8[%parallel_loop3A_196] {strides = array<i32>} : memref<16384xf32, #tpu.memory_space<vmem>>, vector<16xf32>,
        %parallel_loop3A_198 = vector.shape_cast %parallel_loop3A_197 : vector<16xf32> to vector<16xf32>
        %parallel_loop3A_199 = vector.shape_cast %parallel_loop3A_193 : vector<16xf32> to vector<16xf32>
        tpu.vector_store %arg8[%parallel_loop3A_196], %parallel_loop3A_199 {strides = array<i32>} : memref<16384xf32, #tpu.memory_space<vmem>>, vector<16xf32>,
        %parallel_loop3A_200 = arith.addi %mul3A_118, %parallel_loop3A_189 : i32
        %parallel_loop3A_201 = arith.index_cast %parallel_loop3A_200 : i32 to index
        %parallel_loop3A_202 = tpu.vector_load %arg6[%parallel_loop3A_201] {strides = array<i32>} : memref<6144xf32, #tpu.memory_space<vmem>>, vector<16xf32>,
        %parallel_loop3A_203 = vector.shape_cast %parallel_loop3A_202 : vector<16xf32> to vector<16xf32>
        %parallel_loop3A_204 = arith.constant 1024 : i32
        %parallel_loop3A_205 = arith.addi %parallel_loop3A_204, %parallel_loop3A_189 : i32
        %parallel_loop3A_206 = arith.index_cast %parallel_loop3A_205 : i32 to index
        %parallel_loop3A_207 = tpu.vector_load %arg8[%parallel_loop3A_206] {strides = array<i32>} : memref<16384xf32, #tpu.memory_space<vmem>>, vector<16xf32>,
        %parallel_loop3A_208 = vector.shape_cast %parallel_loop3A_207 : vector<16xf32> to vector<16xf32>
        %parallel_loop3A_209 = vector.shape_cast %parallel_loop3A_203 : vector<16xf32> to vector<16xf32>
        tpu.vector_store %arg8[%parallel_loop3A_206], %parallel_loop3A_209 {strides = array<i32>} : memref<16384xf32, #tpu.memory_space<vmem>>, vector<16xf32>,
        %parallel_loop3A_210 = arith.addi %mul3A_122, %parallel_loop3A_189 : i32
        %parallel_loop3A_211 = arith.index_cast %parallel_loop3A_210 : i32 to index
        %parallel_loop3A_212 = tpu.vector_load %arg6[%parallel_loop3A_211] {strides = array<i32>} : memref<6144xf32, #tpu.memory_space<vmem>>, vector<16xf32>,
        %parallel_loop3A_213 = vector.shape_cast %parallel_loop3A_212 : vector<16xf32> to vector<16xf32>
        %parallel_loop3A_214 = arith.constant 2048 : i32
        %parallel_loop3A_215 = arith.addi %parallel_loop3A_214, %parallel_loop3A_189 : i32
        %parallel_loop3A_216 = arith.index_cast %parallel_loop3A_215 : i32 to index
        %parallel_loop3A_217 = tpu.vector_load %arg8[%parallel_loop3A_216] {strides = array<i32>} : memref<16384xf32, #tpu.memory_space<vmem>>, vector<16xf32>,
        %parallel_loop3A_218 = vector.shape_cast %parallel_loop3A_217 : vector<16xf32> to vector<16xf32>
        %parallel_loop3A_219 = vector.shape_cast %parallel_loop3A_213 : vector<16xf32> to vector<16xf32>
        tpu.vector_store %arg8[%parallel_loop3A_216], %parallel_loop3A_219 {strides = array<i32>} : memref<16384xf32, #tpu.memory_space<vmem>>, vector<16xf32>,
        %parallel_loop3A_220 = arith.addi %mul3A_126, %parallel_loop3A_189 : i32
        %parallel_loop3A_221 = arith.index_cast %parallel_loop3A_220 : i32 to index
        %parallel_loop3A_222 = tpu.vector_load %arg6[%parallel_loop3A_221] {strides = array<i32>} : memref<6144xf32, #tpu.memory_space<vmem>>, vector<16xf32>,
        %parallel_loop3A_223 = vector.shape_cast %parallel_loop3A_222 : vector<16xf32> to vector<16xf32>
        %parallel_loop3A_224 = arith.constant 3072 : i32
        %parallel_loop3A_225 = arith.addi %parallel_loop3A_224, %parallel_loop3A_189 : i32
        %parallel_loop3A_226 = arith.index_cast %parallel_loop3A_225 : i32 to index
        %parallel_loop3A_227 = tpu.vector_load %arg8[%parallel_loop3A_226] {strides = array<i32>} : memref<16384xf32, #tpu.memory_space<vmem>>, vector<16xf32>,
        %parallel_loop3A_228 = vector.shape_cast %parallel_loop3A_227 : vector<16xf32> to vector<16xf32>
        %parallel_loop3A_229 = vector.shape_cast %parallel_loop3A_223 : vector<16xf32> to vector<16xf32>
        tpu.vector_store %arg8[%parallel_loop3A_226], %parallel_loop3A_229 {strides = array<i32>} : memref<16384xf32, #tpu.memory_space<vmem>>, vector<16xf32>,
        %parallel_loop3A_230 = arith.addi %mul3A_130, %parallel_loop3A_189 : i32
        %parallel_loop3A_231 = arith.index_cast %parallel_loop3A_230 : i32 to index
        %parallel_loop3A_232 = tpu.vector_load %arg6[%parallel_loop3A_231] {strides = array<i32>} : memref<6144xf32, #tpu.memory_space<vmem>>, vector<16xf32>,
        %parallel_loop3A_233 = vector.shape_cast %parallel_loop3A_232 : vector<16xf32> to vector<16xf32>
        %parallel_loop3A_234 = arith.constant 4096 : i32
        %parallel_loop3A_235 = arith.addi %parallel_loop3A_234, %parallel_loop3A_189 : i32
        %parallel_loop3A_236 = arith.index_cast %parallel_loop3A_235 : i32 to index
        %parallel_loop3A_237 = tpu.vector_load %arg8[%parallel_loop3A_236] {strides = array<i32>} : memref<16384xf32, #tpu.memory_space<vmem>>, vector<16xf32>,
        %parallel_loop3A_238 = vector.shape_cast %parallel_loop3A_237 : vector<16xf32> to vector<16xf32>
        %parallel_loop3A_239 = vector.shape_cast %parallel_loop3A_233 : vector<16xf32> to vector<16xf32>
        tpu.vector_store %arg8[%parallel_loop3A_236], %parallel_loop3A_239 {strides = array<i32>} : memref<16384xf32, #tpu.memory_space<vmem>>, vector<16xf32>,
        %parallel_loop3A_240 = arith.addi %mul3A_134, %parallel_loop3A_189 : i32
        %parallel_loop3A_241 = arith.index_cast %parallel_loop3A_240 : i32 to index
        %parallel_loop3A_242 = tpu.vector_load %arg6[%parallel_loop3A_241] {strides = array<i32>} : memref<6144xf32, #tpu.memory_space<vmem>>, vector<16xf32>,
        %parallel_loop3A_243 = vector.shape_cast %parallel_loop3A_242 : vector<16xf32> to vector<16xf32>
        %parallel_loop3A_244 = arith.constant 5120 : i32
        %parallel_loop3A_245 = arith.addi %parallel_loop3A_244, %parallel_loop3A_189 : i32
        %parallel_loop3A_246 = arith.index_cast %parallel_loop3A_245 : i32 to index
        %parallel_loop3A_247 = tpu.vector_load %arg8[%parallel_loop3A_246] {strides = array<i32>} : memref<16384xf32, #tpu.memory_space<vmem>>, vector<16xf32>,
        %parallel_loop3A_248 = vector.shape_cast %parallel_loop3A_247 : vector<16xf32> to vector<16xf32>
        %parallel_loop3A_249 = vector.shape_cast %parallel_loop3A_243 : vector<16xf32> to vector<16xf32>
        tpu.vector_store %arg8[%parallel_loop3A_246], %parallel_loop3A_249 {strides = array<i32>} : memref<16384xf32, #tpu.memory_space<vmem>>, vector<16xf32>,
        %parallel_loop3A_250 = arith.addi %mul3A_138, %parallel_loop3A_189 : i32
        %parallel_loop3A_251 = arith.index_cast %parallel_loop3A_250 : i32 to index
        %parallel_loop3A_252 = tpu.vector_load %arg6[%parallel_loop3A_251] {strides = array<i32>} : memref<6144xf32, #tpu.memory_space<vmem>>, vector<16xf32>,
        %parallel_loop3A_253 = vector.shape_cast %parallel_loop3A_252 : vector<16xf32> to vector<16xf32>
        %parallel_loop3A_254 = arith.constant 6144 : i32
        %parallel_loop3A_255 = arith.addi %parallel_loop3A_254, %parallel_loop3A_189 : i32
        %parallel_loop3A_256 = arith.index_cast %parallel_loop3A_255 : i32 to index
        %parallel_loop3A_257 = tpu.vector_load %arg8[%parallel_loop3A_256] {strides = array<i32>} : memref<16384xf32, #tpu.memory_space<vmem>>, vector<16xf32>,
        %parallel_loop3A_258 = vector.shape_cast %parallel_loop3A_257 : vector<16xf32> to vector<16xf32>
        %parallel_loop3A_259 = vector.shape_cast %parallel_loop3A_253 : vector<16xf32> to vector<16xf32>
        tpu.vector_store %arg8[%parallel_loop3A_256], %parallel_loop3A_259 {strides = array<i32>} : memref<16384xf32, #tpu.memory_space<vmem>>, vector<16xf32>,
        %parallel_loop3A_260 = arith.addi %mul3A_142, %parallel_loop3A_189 : i32
        %parallel_loop3A_261 = arith.index_cast %parallel_loop3A_260 : i32 to index
        %parallel_loop3A_262 = tpu.vector_load %arg6[%parallel_loop3A_261] {strides = array<i32>} : memref<6144xf32, #tpu.memory_space<vmem>>, vector<16xf32>,
        %parallel_loop3A_263 = vector.shape_cast %parallel_loop3A_262 : vector<16xf32> to vector<16xf32>
        %parallel_loop3A_264 = arith.constant 7168 : i32
        %parallel_loop3A_265 = arith.addi %parallel_loop3A_264, %parallel_loop3A_189 : i32
        %parallel_loop3A_266 = arith.index_cast %parallel_loop3A_265 : i32 to index
        %parallel_loop3A_267 = tpu.vector_load %arg8[%parallel_loop3A_266] {strides = array<i32>} : memref<16384xf32, #tpu.memory_space<vmem>>, vector<16xf32>,
        %parallel_loop3A_268 = vector.shape_cast %parallel_loop3A_267 : vector<16xf32> to vector<16xf32>
        %parallel_loop3A_269 = vector.shape_cast %parallel_loop3A_263 : vector<16xf32> to vector<16xf32>
        tpu.vector_store %arg8[%parallel_loop3A_266], %parallel_loop3A_269 {strides = array<i32>} : memref<16384xf32, #tpu.memory_space<vmem>>, vector<16xf32>,
        %parallel_loop3A_270 = arith.addi %mul3A_146, %parallel_loop3A_189 : i32
        %parallel_loop3A_271 = arith.index_cast %parallel_loop3A_270 : i32 to index
        %parallel_loop3A_272 = tpu.vector_load %arg6[%parallel_loop3A_271] {strides = array<i32>} : memref<6144xf32, #tpu.memory_space<vmem>>, vector<16xf32>,
        %parallel_loop3A_273 = vector.shape_cast %parallel_loop3A_272 : vector<16xf32> to vector<16xf32>
        %parallel_loop3A_274 = arith.constant 8192 : i32
        %parallel_loop3A_275 = arith.addi %parallel_loop3A_274, %parallel_loop3A_189 : i32
        %parallel_loop3A_276 = arith.index_cast %parallel_loop3A_275 : i32 to index
        %parallel_loop3A_277 = tpu.vector_load %arg8[%parallel_loop3A_276] {strides = array<i32>} : memref<16384xf32, #tpu.memory_space<vmem>>, vector<16xf32>,
        %parallel_loop3A_278 = vector.shape_cast %parallel_loop3A_277 : vector<16xf32> to vector<16xf32>
        %parallel_loop3A_279 = vector.shape_cast %parallel_loop3A_273 : vector<16xf32> to vector<16xf32>
        tpu.vector_store %arg8[%parallel_loop3A_276], %parallel_loop3A_279 {strides = array<i32>} : memref<16384xf32, #tpu.memory_space<vmem>>, vector<16xf32>,
        %parallel_loop3A_280 = arith.addi %mul3A_150, %parallel_loop3A_189 : i32
        %parallel_loop3A_281 = arith.index_cast %parallel_loop3A_280 : i32 to index
        %parallel_loop3A_282 = tpu.vector_load %arg6[%parallel_loop3A_281] {strides = array<i32>} : memref<6144xf32, #tpu.memory_space<vmem>>, vector<16xf32>,
        %parallel_loop3A_283 = vector.shape_cast %parallel_loop3A_282 : vector<16xf32> to vector<16xf32>
        %parallel_loop3A_284 = arith.constant 9216 : i32
        %parallel_loop3A_285 = arith.addi %parallel_loop3A_284, %parallel_loop3A_189 : i32
        %parallel_loop3A_286 = arith.index_cast %parallel_loop3A_285 : i32 to index
        %parallel_loop3A_287 = tpu.vector_load %arg8[%parallel_loop3A_286] {strides = array<i32>} : memref<16384xf32, #tpu.memory_space<vmem>>, vector<16xf32>,
        %parallel_loop3A_288 = vector.shape_cast %parallel_loop3A_287 : vector<16xf32> to vector<16xf32>
        %parallel_loop3A_289 = vector.shape_cast %parallel_loop3A_283 : vector<16xf32> to vector<16xf32>
        tpu.vector_store %arg8[%parallel_loop3A_286], %parallel_loop3A_289 {strides = array<i32>} : memref<16384xf32, #tpu.memory_space<vmem>>, vector<16xf32>,
        %parallel_loop3A_290 = arith.addi %mul3A_154, %parallel_loop3A_189 : i32
        %parallel_loop3A_291 = arith.index_cast %parallel_loop3A_290 : i32 to index
        %parallel_loop3A_292 = tpu.vector_load %arg6[%parallel_loop3A_291] {strides = array<i32>} : memref<6144xf32, #tpu.memory_space<vmem>>, vector<16xf32>,
        %parallel_loop3A_293 = vector.shape_cast %parallel_loop3A_292 : vector<16xf32> to vector<16xf32>
        %parallel_loop3A_294 = arith.constant 10240 : i32
        %parallel_loop3A_295 = arith.addi %parallel_loop3A_294, %parallel_loop3A_189 : i32
        %parallel_loop3A_296 = arith.index_cast %parallel_loop3A_295 : i32 to index
        %parallel_loop3A_297 = tpu.vector_load %arg8[%parallel_loop3A_296] {strides = array<i32>} : memref<16384xf32, #tpu.memory_space<vmem>>, vector<16xf32>,
        %parallel_loop3A_298 = vector.shape_cast %parallel_loop3A_297 : vector<16xf32> to vector<16xf32>
        %parallel_loop3A_299 = vector.shape_cast %parallel_loop3A_293 : vector<16xf32> to vector<16xf32>
        tpu.vector_store %arg8[%parallel_loop3A_296], %parallel_loop3A_299 {strides = array<i32>} : memref<16384xf32, #tpu.memory_space<vmem>>, vector<16xf32>,
        %parallel_loop3A_300 = arith.addi %mul3A_158, %parallel_loop3A_189 : i32
        %parallel_loop3A_301 = arith.index_cast %parallel_loop3A_300 : i32 to index
        %parallel_loop3A_302 = tpu.vector_load %arg6[%parallel_loop3A_301] {strides = array<i32>} : memref<6144xf32, #tpu.memory_space<vmem>>, vector<16xf32>,
        %parallel_loop3A_303 = vector.shape_cast %parallel_loop3A_302 : vector<16xf32> to vector<16xf32>
        %parallel_loop3A_304 = arith.constant 11264 : i32
        %parallel_loop3A_305 = arith.addi %parallel_loop3A_304, %parallel_loop3A_189 : i32
        %parallel_loop3A_306 = arith.index_cast %parallel_loop3A_305 : i32 to index
        %parallel_loop3A_307 = tpu.vector_load %arg8[%parallel_loop3A_306] {strides = array<i32>} : memref<16384xf32, #tpu.memory_space<vmem>>, vector<16xf32>,
        %parallel_loop3A_308 = vector.shape_cast %parallel_loop3A_307 : vector<16xf32> to vector<16xf32>
        %parallel_loop3A_309 = vector.shape_cast %parallel_loop3A_303 : vector<16xf32> to vector<16xf32>
        tpu.vector_store %arg8[%parallel_loop3A_306], %parallel_loop3A_309 {strides = array<i32>} : memref<16384xf32, #tpu.memory_space<vmem>>, vector<16xf32>,
        %parallel_loop3A_310 = arith.addi %mul3A_162, %parallel_loop3A_189 : i32
        %parallel_loop3A_311 = arith.index_cast %parallel_loop3A_310 : i32 to index
        %parallel_loop3A_312 = tpu.vector_load %arg6[%parallel_loop3A_311] {strides = array<i32>} : memref<6144xf32, #tpu.memory_space<vmem>>, vector<16xf32>,
        %parallel_loop3A_313 = vector.shape_cast %parallel_loop3A_312 : vector<16xf32> to vector<16xf32>
        %parallel_loop3A_314 = arith.constant 12288 : i32
        %parallel_loop3A_315 = arith.addi %parallel_loop3A_314, %parallel_loop3A_189 : i32
        %parallel_loop3A_316 = arith.index_cast %parallel_loop3A_315 : i32 to index
        %parallel_loop3A_317 = tpu.vector_load %arg8[%parallel_loop3A_316] {strides = array<i32>} : memref<16384xf32, #tpu.memory_space<vmem>>, vector<16xf32>,
        %parallel_loop3A_318 = vector.shape_cast %parallel_loop3A_317 : vector<16xf32> to vector<16xf32>
        %parallel_loop3A_319 = vector.shape_cast %parallel_loop3A_313 : vector<16xf32> to vector<16xf32>
        tpu.vector_store %arg8[%parallel_loop3A_316], %parallel_loop3A_319 {strides = array<i32>} : memref<16384xf32, #tpu.memory_space<vmem>>, vector<16xf32>,
        %parallel_loop3A_320 = arith.addi %mul3A_166, %parallel_loop3A_189 : i32
        %parallel_loop3A_321 = arith.index_cast %parallel_loop3A_320 : i32 to index
        %parallel_loop3A_322 = tpu.vector_load %arg6[%parallel_loop3A_321] {strides = array<i32>} : memref<6144xf32, #tpu.memory_space<vmem>>, vector<16xf32>,
        %parallel_loop3A_323 = vector.shape_cast %parallel_loop3A_322 : vector<16xf32> to vector<16xf32>
        %parallel_loop3A_324 = arith.constant 13312 : i32
        %parallel_loop3A_325 = arith.addi %parallel_loop3A_324, %parallel_loop3A_189 : i32
        %parallel_loop3A_326 = arith.index_cast %parallel_loop3A_325 : i32 to index
        %parallel_loop3A_327 = tpu.vector_load %arg8[%parallel_loop3A_326] {strides = array<i32>} : memref<16384xf32, #tpu.memory_space<vmem>>, vector<16xf32>,
        %parallel_loop3A_328 = vector.shape_cast %parallel_loop3A_327 : vector<16xf32> to vector<16xf32>
        %parallel_loop3A_329 = vector.shape_cast %parallel_loop3A_323 : vector<16xf32> to vector<16xf32>
        tpu.vector_store %arg8[%parallel_loop3A_326], %parallel_loop3A_329 {strides = array<i32>} : memref<16384xf32, #tpu.memory_space<vmem>>, vector<16xf32>,
        %parallel_loop3A_330 = arith.addi %mul3A_170, %parallel_loop3A_189 : i32
        %parallel_loop3A_331 = arith.index_cast %parallel_loop3A_330 : i32 to index
        %parallel_loop3A_332 = tpu.vector_load %arg6[%parallel_loop3A_331] {strides = array<i32>} : memref<6144xf32, #tpu.memory_space<vmem>>, vector<16xf32>,
        %parallel_loop3A_333 = vector.shape_cast %parallel_loop3A_332 : vector<16xf32> to vector<16xf32>
        %parallel_loop3A_334 = arith.constant 14336 : i32
        %parallel_loop3A_335 = arith.addi %parallel_loop3A_334, %parallel_loop3A_189 : i32
        %parallel_loop3A_336 = arith.index_cast %parallel_loop3A_335 : i32 to index
        %parallel_loop3A_337 = tpu.vector_load %arg8[%parallel_loop3A_336] {strides = array<i32>} : memref<16384xf32, #tpu.memory_space<vmem>>, vector<16xf32>,
        %parallel_loop3A_338 = vector.shape_cast %parallel_loop3A_337 : vector<16xf32> to vector<16xf32>
        %parallel_loop3A_339 = vector.shape_cast %parallel_loop3A_333 : vector<16xf32> to vector<16xf32>
        tpu.vector_store %arg8[%parallel_loop3A_336], %parallel_loop3A_339 {strides = array<i32>} : memref<16384xf32, #tpu.memory_space<vmem>>, vector<16xf32>,
        %parallel_loop3A_340 = arith.addi %mul3A_174, %parallel_loop3A_189 : i32
        %parallel_loop3A_341 = arith.index_cast %parallel_loop3A_340 : i32 to index
        %parallel_loop3A_342 = tpu.vector_load %arg6[%parallel_loop3A_341] {strides = array<i32>} : memref<6144xf32, #tpu.memory_space<vmem>>, vector<16xf32>,
        %parallel_loop3A_343 = vector.shape_cast %parallel_loop3A_342 : vector<16xf32> to vector<16xf32>
        %parallel_loop3A_344 = arith.constant 15360 : i32
        %parallel_loop3A_345 = arith.addi %parallel_loop3A_344, %parallel_loop3A_189 : i32
        %parallel_loop3A_346 = arith.index_cast %parallel_loop3A_345 : i32 to index
        %parallel_loop3A_347 = tpu.vector_load %arg8[%parallel_loop3A_346] {strides = array<i32>} : memref<16384xf32, #tpu.memory_space<vmem>>, vector<16xf32>,
        %parallel_loop3A_348 = vector.shape_cast %parallel_loop3A_347 : vector<16xf32> to vector<16xf32>
        %parallel_loop3A_349 = vector.shape_cast %parallel_loop3A_343 : vector<16xf32> to vector<16xf32>
        tpu.vector_store %arg8[%parallel_loop3A_346], %parallel_loop3A_349 {strides = array<i32>} : memref<16384xf32, #tpu.memory_space<vmem>>, vector<16xf32>,
      } {sc.loop_unroll_factor = 4 : i64, sc.parallel_access}
      %add3A_178 = arith.constant 1 : i32
      %add3A_179 = arith.addi %add3A_18, %add3A_178 : i32
      %mul3A_180 = arith.constant 16 : i32
      %mul3A_181 = arith.muli %add3A_179, %mul3A_180 : i32
      %add3A_182 = arith.addi %mul3A_2, %mul3A_181 : i32
      %mul3A_183 = arith.constant 1024 : i32
      %mul3A_184 = arith.muli %add3A_182, %mul3A_183 : i32
      %dma_start3A_185 = tpu.memref_slice %arg4[%mul3A_184] : memref<16777216xf32, #tpu.memory_space<hbm>> -> memref<16384xf32, #tpu.memory_space<hbm>>
      %dma_start3A_186 = tpu.memref_slice %arg4[%mul3A_184] : memref<16777216xf32, #tpu.memory_space<hbm>> -> memref<16384xf32, #tpu.memory_space<hbm>>
      tpu.enqueue_dma source(%arg8 : memref<16384xf32, #tpu.memory_space<vmem>>) target(%dma_start3A_186 : memref<16384xf32, #tpu.memory_space<hbm>>) target_semaphore(%arg10 : memref<!tpu.dma_semaphore, #tpu.memory_space<semaphore_mem>>)
    }
    %scan3A_6 = arith.constant 16 : i32
    %dma_wait3A = arith.constant 0 : i32
    %dma_wait3A_7 = tpu.memref_slice %arg4[%dma_wait3A] : memref<16777216xf32, #tpu.memory_space<hbm>> -> memref<16384xf32, #tpu.memory_space<hbm>>
    %dma_wait3A_8 = arith.constant 0 : i32
    %dma_wait3A_9 = tpu.memref_slice %arg4[%dma_wait3A_8] : memref<16777216xf32, #tpu.memory_space<hbm>> -> memref<16384xf32, #tpu.memory_space<hbm>>
    tpu.wait_dma2 semaphore(%arg9 : memref<!tpu.dma_semaphore, #tpu.memory_space<semaphore_mem>>) src(%arg7 : memref<16384xf32, #tpu.memory_space<vmem>>) dst(%dma_wait3A_9 : memref<16384xf32, #tpu.memory_space<hbm>>)
    %dma_wait3A_10 = arith.constant 0 : i32
    %dma_wait3A_11 = tpu.memref_slice %arg4[%dma_wait3A_10] : memref<16777216xf32, #tpu.memory_space<hbm>> -> memref<16384xf32, #tpu.memory_space<hbm>>
    %dma_wait3A_12 = arith.constant 0 : i32
    %dma_wait3A_13 = tpu.memref_slice %arg4[%dma_wait3A_12] : memref<16777216xf32, #tpu.memory_space<hbm>> -> memref<16384xf32, #tpu.memory_space<hbm>>
    tpu.wait_dma2 semaphore(%arg10 : memref<!tpu.dma_semaphore, #tpu.memory_space<semaphore_mem>>) src(%arg8 : memref<16384xf32, #tpu.memory_space<vmem>>) dst(%dma_wait3A_13 : memref<16384xf32, #tpu.memory_space<hbm>>)
    return
  }
}

module attributes {stable_mosaic.version = 14 : i64} {
  func.func @_tc_body(%arg0: i32, %arg1: memref<512xi32, #tpu.memory_space<vmem>>, %arg2: memref<512xi32, #tpu.memory_space<vmem>>, %arg3: memref<8x1024xf32, #tpu.memory_space<vmem>>, %arg4: memref<8x1024xf32, #tpu.memory_space<vmem>>, %arg5: memref<512x1024xf32, #tpu.memory_space<vmem>>, %arg6: memref<512x1024xf32, #tpu.memory_space<vmem>>) attributes {dimension_semantics = [#tpu.dimension_semantics<arbitrary>], iteration_bounds = array<i64: 32>, scalar_prefetch = 0 : i64, scratch_operands = 0 : i64, tpu.core_type = #tpu.core_type<tc>, window_params = [{transform_indices = @transform_0, window_bounds = array<i64: 512>}, {transform_indices = @transform_1, window_bounds = array<i64: 512>}, {pipeline_mode = #tpu.pipeline_mode<synchronous>, transform_indices = @transform_2, window_bounds = array<i64: 8, 1024>}, {pipeline_mode = #tpu.pipeline_mode<synchronous>, transform_indices = @transform_3, window_bounds = array<i64: 8, 1024>}, {transform_indices = @transform_4, window_bounds = array<i64: 512, 1024>}, {transform_indices = @transform_5, window_bounds = array<i64: 512, 1024>}]} {
    %get3A = arith.constant 0 : index
    %get3A_0 = vector.load %arg1[%get3A] : memref<512xi32, #tpu.memory_space<vmem>>, vector<512xi32>
    %broadcast_in_dim3A = vector.shape_cast %get3A_0 : vector<512xi32> to vector<512x1xi32>
    %iota3A = tpu.iota {dimensions = array<i32: 1>} : vector<512x8xi32>
    %eq3A = vector.broadcast %broadcast_in_dim3A : vector<512x1xi32> to vector<512x8xi32>
    %eq3A_1 = arith.cmpi eq, %eq3A, %iota3A : vector<512x8xi32>
    %convert_element_type3A = arith.extui %eq3A_1 : vector<512x8xi1> to vector<512x8xi32>
    %convert_element_type3A_2 = arith.sitofp %convert_element_type3A : vector<512x8xi32> to vector<512x8xf32>
    %get3A_3 = arith.constant 0 : index
    %get3A_4 = arith.constant 0 : index
    %get3A_5 = vector.load %arg3[%get3A_3, %get3A_4] : memref<8x1024xf32, #tpu.memory_space<vmem>>, vector<8x1024xf32>
    %dot_general3A = arith.constant dense<0.000000e+00> : vector<512x1024xf32>
    %dot_general3A_6 = tpu.matmul %convert_element_type3A_2, %get3A_5, %dot_general3A {dimension_numbers = #tpu.dot_dimension_numbers<[1], [0], [0], [1], [0, 0, 1, 1], [], []>, transpose_lhs_hint = false} : vector<512x8xf32>, vector<8x1024xf32>, vector<512x1024xf32> -> vector<512x1024xf32>
    %swap3A = arith.constant 0 : index
    %swap3A_7 = arith.constant 0 : index
    %swap3A_8 = vector.load %arg5[%swap3A, %swap3A_7] : memref<512x1024xf32, #tpu.memory_space<vmem>>, vector<512x1024xf32>
    tpu.vector_store %arg5[%swap3A, %swap3A_7], %dot_general3A_6 {strides = array<i32>} : memref<512x1024xf32, #tpu.memory_space<vmem>>, vector<512x1024xf32>,
    %get3A_9 = arith.constant 0 : index
    %get3A_10 = vector.load %arg2[%get3A_9] : memref<512xi32, #tpu.memory_space<vmem>>, vector<512xi32>
    %broadcast_in_dim3A_11 = vector.shape_cast %get3A_10 : vector<512xi32> to vector<512x1xi32>
    %iota3A_12 = tpu.iota {dimensions = array<i32: 1>} : vector<512x8xi32>
    %eq3A_13 = vector.broadcast %broadcast_in_dim3A_11 : vector<512x1xi32> to vector<512x8xi32>
    %eq3A_14 = arith.cmpi eq, %eq3A_13, %iota3A_12 : vector<512x8xi32>
    %convert_element_type3A_15 = arith.extui %eq3A_14 : vector<512x8xi1> to vector<512x8xi32>
    %convert_element_type3A_16 = arith.sitofp %convert_element_type3A_15 : vector<512x8xi32> to vector<512x8xf32>
    %get3A_17 = arith.constant 0 : index
    %get3A_18 = arith.constant 0 : index
    %get3A_19 = vector.load %arg4[%get3A_17, %get3A_18] : memref<8x1024xf32, #tpu.memory_space<vmem>>, vector<8x1024xf32>
    %dot_general3A_20 = arith.constant dense<0.000000e+00> : vector<512x1024xf32>
    %dot_general3A_21 = tpu.matmul %convert_element_type3A_16, %get3A_19, %dot_general3A_20 {dimension_numbers = #tpu.dot_dimension_numbers<[1], [0], [0], [1], [0, 0, 1, 1], [], []>, transpose_lhs_hint = false} : vector<512x8xf32>, vector<8x1024xf32>, vector<512x1024xf32> -> vector<512x1024xf32>
    %swap3A_22 = arith.constant 0 : index
    %swap3A_23 = arith.constant 0 : index
    %swap3A_24 = vector.load %arg6[%swap3A_22, %swap3A_23] : memref<512x1024xf32, #tpu.memory_space<vmem>>, vector<512x1024xf32>
    tpu.vector_store %arg6[%swap3A_22, %swap3A_23], %dot_general3A_21 {strides = array<i32>} : memref<512x1024xf32, #tpu.memory_space<vmem>>, vector<512x1024xf32>,
    return
  }
  func.func @transform_0(%arg0: i32) -> i32 {
    %c0_i32 = arith.constant 0 : i32
    return %arg0 : i32
  }
  func.func @transform_1(%arg0: i32) -> i32 {
    %c0_i32 = arith.constant 0 : i32
    return %arg0 : i32
  }
  func.func @transform_2(%arg0: i32) -> (i32, i32) {
    %c0_i32 = arith.constant 0 : i32
    %c0_i32_0 = arith.constant 0 : i32
    %c0_i32_1 = arith.constant 0 : i32
    return %c0_i32, %c0_i32_0 : i32, i32
  }
  func.func @transform_3(%arg0: i32) -> (i32, i32) {
    %c0_i32 = arith.constant 0 : i32
    %c0_i32_0 = arith.constant 0 : i32
    %c0_i32_1 = arith.constant 0 : i32
    return %c0_i32, %c0_i32_0 : i32, i32
  }
  func.func @transform_4(%arg0: i32) -> (i32, i32) {
    %c0_i32 = arith.constant 0 : i32
    %c0_i32_0 = arith.constant 0 : i32
    return %arg0, %c0_i32 : i32, i32
  }
  func.func @transform_5(%arg0: i32) -> (i32, i32) {
    %c0_i32 = arith.constant 0 : i32
    %c0_i32_0 = arith.constant 0 : i32
    return %arg0, %c0_i32 : i32, i32
  }
}

</mosaic_0001>

<sc_bundles>
// kernel: kernel.4.cloned.1.call-start
scs
__scs_entry_jumppad:
0x0: {  	(pc) =	sbr.rel $0x88, $3  }
0x1: {  	(tag) =	ssettag $0x0;
	lr =	simm.s32 $0x1  }
0x2: {  	[smem:$0x3F9D] =	sst lr;
	_ =	strace $0xD0000000  }
0x3: {  	_ = 	snop  }
0x4: {  	_ = 	snop  }
0x5: {  	_ = 	snop  }
0x6: {  	_ = 	snop  }
0x7: {  	_ = 	snop  }
__scs_overlays_trampoline_lowered:
0x8: {  	[smem:$0x3FAC] =	sst s0  }
0x9: {  	[smem:$0x3FAD] =	sst s1  }
0xa: {  	[smem:$0x3FAE] =	sst s2  }
0xb: {  	[smem:$0x3FAF] =	sst s3  }
0xc: {  	[smem:$0x3FB0] =	sst s4  }
0xd: {  	[smem:$0x3FB1] =	sst s5  }
0xe: {  	[smem:$0x3FB2] =	sst s6  }
0xf: {  	[smem:$0x3FB3] =	sst s7  }
0x10: {  	[smem:$0x3FB4] =	sst s8  }
0x11: {  	[smem:$0x3FB5] =	sst s9;
	s0 =	simm.s32 @!p0 $0x0  }
0x12: {  	s1 =	sld [smem:$0x3F9B];
	s0 =	simm.s32 @p0 $0x1  }
0x13: {  	[smem:$0x3FB6] =	sst s0;
	s0 =	simm.s32 @!p1 $0x0  }
0x14: {  	s2 =	sld [smem:$0x3F9A];
	s0 =	simm.s32 @p1 $0x1  }
0x15: {  	[smem:$0x3FB7] =	sst s0;
	s0 =	simm.s32 @!p2 $0x0  }
0x16: {  	s3 =	sld [smem:$0x3FDB];
	s0 =	simm.s32 @p2 $0x1  }
0x17: {  	s4 =	simm.s32 $0x1BF5;
	[smem:$0x3FB9] =	sst s0  }
0x18: {  	s0 =	sld [smem:$0x3F9C];
	_ =	swait.ge [sflag:s4], $0x0  }
0x19: {  	s7 =	sld [smem:$0x3F9D]  }
0x1a: {  	s8 =	sadd.s32 $0xFFFFE003, lr  }
0x1b: {  	s9 =	sadd.s32 $0xFFFFFEF7, lr;
	s5 =	simm.s32 $0xFFFFFFFF;
	p2 =	slt.u32 s8, $0xFFFFF086  }
0x1c: {  	p1 =	slt.u32 s9, $0xF7A;
	s5 =	simm.s32 @!p2 $0x0  }
0x1d: {  	s5 =	simm.s32 @p1 $0x1;
	p0 =	seq.s32 s7, s2  }
0x1e: {  	s7 =	smul.u32 @!p0 $0xF7A, s2;
	p2 =	seq.s32 @!p0 s5, $0x0  }
0x1f: {  	s9 =	smul.u32 $0xF7A, s1;
	s8 =	simm.s32 @!p0 $0x1BF5;
	p2 =	por !p2, p0  }
0x20: {  	[sflag:s8] =	ssyncset.s32 @!p0 $0xFFFFF086;
	s6 =	sadd.s32 @!p0 s3, s7;
	s7 =	simm.s32 @!p0 $0x108  }
0x21: {  	s3 =	sadd.s32 s3, s9;
	s6 =	sadd.s32 @!p0 $0x88, s6;
	s7 =	simm.s32 @p2 $0x1082  }
0x22: {  	[simem:s7], [sflag:s8] =	dma.local @!p0 [hbm:s6], $0xF7A  }
0x23: {  	s9 =	sor.u32 $0xD0000000, s2;
	s6 =	simm.s32 $0x108;
	_ =	swait.ge @!p0 [sflag:s8], $0x0  }
0x24: {  	s3 =	sadd.s32 $0x88, s3;
	s6 =	simm.s32 @!p1 $0x1082;
	[sflag:s4] =	ssyncset.s32 $0xFFFFF086  }
0x25: {  	[simem:s6], [sflag:s4] =	dma.local [hbm:s3], $0xF7A  }
0x26: {  	[smem:$0x3F9D] =	sst s1;
	(tag) =	ssettag s2;
	_ =	strace s9  }
0x27: {  	s1 =	sld [smem:$0x3FAD]  }
0x28: {  	s2 =	sld [smem:$0x3FAE]  }
0x29: {  	s4 =	sld [smem:$0x3FB0]  }
0x2a: {  	p0 =	seq.s32 s5, $0x0;
	s5 =	sld [smem:$0x3FB1]  }
0x2b: {  	s6 =	sld [smem:$0x3FB2]  }
0x2c: {  	s7 =	sld [smem:$0x3FB3]  }
0x2d: {  	s3 =	simm.s32 $0x108;
	s8 =	sld [smem:$0x3FB4]  }
0x2e: {  	s3 =	simm.s32 @!p0 $0x1082;
	s9 =	sld [smem:$0x3FB5]  }
0x2f: {  	lr =	sadd.s32 s0, s3;
	s0 =	sld [smem:$0x3FAC]  }
0x30: {  	s3 =	sld [smem:$0x3FAF]  }
0x31: {  	[smem:$0x3FB8] =	sst s10  }
0x32: {  	s10 =	sld [smem:$0x3FB6];
	_ =	sdelay $0x3  }
0x33: {  	p0 =	seq.s32 s10, $0x1;
	s10 =	sld [smem:$0x3FB8];
	_ =	sdelay $0x3  }
0x34: {  	[smem:$0x3FB8] =	sst s10  }
0x35: {  	s10 =	sld [smem:$0x3FB7];
	_ =	sdelay $0x3  }
0x36: {  	p1 =	seq.s32 s10, $0x1;
	s10 =	sld [smem:$0x3FB8];
	_ =	sdelay $0x3  }
0x37: {  	[smem:$0x3FB8] =	sst s10  }
0x38: {  	s10 =	sld [smem:$0x3FB9]  }
0x39: {  	_ = 	snop;
	(pc) =	sbr.ind lr, $3  }
0x3a: {  	_ = 	snop  }
0x3b: {  	_ = 	snop  }
0x3c: {  	p2 =	seq.s32 s10, $0x1;
	s10 =	sld [smem:$0x3FB8]  }
0x3d: {  	_ =	shalt  }
0x3e: {  	_ =	shalt  }
0x3f: {  	_ =	shalt  }
0x40: {  	_ =	shalt  }
0x41: {  	_ =	shalt  }
0x42: {  	_ =	shalt  }
0x43: {  	_ =	shalt  }
0x44: {  	_ =	shalt  }
0x45: {  	_ =	shalt  }
0x46: {  	_ =	shalt  }
0x47: {  	_ =	shalt  }
0x48: {  	_ =	shalt  }
0x49: {  	_ =	shalt  }
0x4a: {  	_ =	shalt  }
0x4b: {  	_ =	shalt  }
0x4c: {  	_ =	shalt  }
0x4d: {  	_ =	shalt  }
0x4e: {  	_ =	shalt  }
0x4f: {  	_ =	shalt  }
0x50: {  	_ =	shalt  }
0x51: {  	_ =	shalt  }
0x52: {  	_ =	shalt  }
0x53: {  	_ =	shalt  }
0x54: {  	_ =	shalt  }
0x55: {  	_ =	shalt  }
0x56: {  	_ =	shalt  }
0x57: {  	_ =	shalt  }
0x58: {  	_ =	shalt  }
0x59: {  	_ =	shalt  }
0x5a: {  	_ =	shalt  }
0x5b: {  	_ =	shalt  }
0x5c: {  	_ =	shalt  }
0x5d: {  	_ =	shalt  }
0x5e: {  	_ =	shalt  }
0x5f: {  	_ =	shalt  }
0x60: {  	_ =	shalt  }
0x61: {  	_ =	shalt  }
0x62: {  	_ =	shalt  }
0x63: {  	_ =	shalt  }
0x64: {  	_ =	shalt  }
0x65: {  	_ =	shalt  }
0x66: {  	_ =	shalt  }
0x67: {  	_ =	shalt  }
0x68: {  	_ =	shalt  }
0x69: {  	_ =	shalt  }
0x6a: {  	_ =	shalt  }
0x6b: {  	_ =	shalt  }
0x6c: {  	_ =	shalt  }
0x6d: {  	_ =	shalt  }
0x6e: {  	_ =	shalt  }
0x6f: {  	_ =	shalt  }
0x70: {  	_ =	shalt  }
0x71: {  	_ =	shalt  }
0x72: {  	_ =	shalt  }
0x73: {  	_ =	shalt  }
0x74: {  	_ =	shalt  }
0x75: {  	_ =	shalt  }
0x76: {  	_ =	shalt  }
0x77: {  	_ =	shalt  }
0x78: {  	_ =	shalt  }
0x79: {  	_ =	shalt  }
0x7a: {  	_ =	shalt  }
0x7b: {  	_ =	shalt  }
0x7c: {  	_ =	shalt  }
0x7d: {  	_ =	shalt  }
0x7e: {  	_ =	shalt  }
0x7f: {  	_ =	shalt  }
0x80: {  	_ =	shalt  }
0x81: {  	_ =	shalt  }
0x82: {  	_ =	shalt  }
0x83: {  	_ =	shalt  }
0x84: {  	_ =	shalt  }
0x85: {  	_ =	shalt  }
0x86: {  	_ =	shalt  }
0x87: {  	_ =	shalt  }
.Lfunc_end0:
.L_simem_size_0:
called_computation_lowered:
.L_overlay_start_0:
0x88: {  	s2 =	sld [smem:$0x3FD9]  }
0x89: {  	s3 =	sld [smem:$0x3FFE];
	_ =	sdelay $0x1  }
0x8a: {  	s1 =	srdreg.scid  }
0x8b: {  	s0 =	sand.u32 $0x1, s1  }
0x8c: {  	s14 =	sshll.u32 s0, $0xA;
	s2 =	sadd.s32 s3, s2  }
0x8d: {  	s2 =	sadd.s32 s2, s14  }
0x8e: {  	[smem:$0x3FC4] =	sst s2  }
0x8f: {  	_ = 	snop  }
0x90: {  	s2 =	sld [smem:$0x3FD0];
	_ =	sdelay $0x2  }
0x91: {  	s15 =	simm.s32 $0xA;
	s4 =	simm.s32 $0x10  }
0x92: {  	[smem:s4], [sflag:s15] =	dma.local [hbm:s2], $0x1  }
0x93: {  	_ =	swait.eq [sflag:s15], $0x1  }
0x94: {  	[sflag:s15] =	ssyncset.done $0x0  }
0x95: {  	[sflag:s15] =	ssyncadd.s32 $0xFFFFFFFF  }
0x96: {  	s16 =	sld [smem:$0x10];
	(tm) =	ssettm $0x1  }
0x97: {  	s17 =	sld [smem:$0x3FFB];
	_ =	sdelay $0x3  }
0x98: {  	_ =	strace s17  }
0x99: {  	s3 =	sld [smem:$0x3FFC];
	_ =	sdelay $0x3  }
0x9a: {  	_ =	strace s3  }
0x9b: {  	s3 =	sld [smem:$0x3FFD];
	_ =	sdelay $0x3  }
0x9c: {  	_ =	strace s3  }
0x9d: {  	_ =	strace $0x8FFFFFFF  }
0x9e: {  	s18 =	sld [smem:$0x3FDB];
	_ =	sdelay $0x1  }
0x9f: {  	s19 =	simm.s32 $_scs_section_size  }
0xa0: {  	s5 =	simm.s32 $_size__tile_overlayer_lowered;
	s6 =	simm.s32 $_tile_overlayer_lowered  }
0xa1: {  	s22 =	simm.s32 $0x1BFF;
	s21 =	sshll.u32 s6, $0x1;
	s3 =	sadd.s32 s19, s18  }
0xa2: {  	s7 =	simm.s32 $0x0;
	s20 =	sshll.u32 s5, $0x1;
	s5 =	sadd.s32 s21, s3  }
0xa3: {  	[timem:s7], [sflag:s22] =	dma.local [hbm:s5], s20  }
0xa4: {  	_ =	swait.ge [sflag:s22], s20  }
0xa5: {  	s4 =	ssub.s32 $0x0, s20;
	[sflag:s22] =	ssyncset.done $0x0  }
0xa6: {  	[sflag:s22] =	ssyncadd.s32 s4;
	_ =	sdelay $0x1  }
0xa7: {  	s23 =	simm.s32 $0x1B8B  }
0xa8: {  	_ =	swait.ge [sflag:s23], $0x1  }
0xa9: {  	[sflag:s23] =	ssyncset.done $0x0  }
0xaa: {  	s25 =	simm.s32 $0x1B8E;
	s24 =	sld [smem:$0x3FFE];
	[sflag:s23] =	ssyncadd.s32 $0xFFFFFFFF  }
0xab: {  	s26 =	simm.s32 $execute0_lowered;
	[smem:$0x3FD2] =	sst s25  }
0xac: {  	s5 =	sshll.u32 s26, $0x1;
	_ =	strace $0x80000046;
	[dreg:$0x1] =	wrdreg $0xFFFFFFFF  }
0xad: {  	s28 =	simm.s32 $_size_execute0_lowered;
	s3 =	sadd.s32 s3, s5;
	[dreg:$0x0] =	wrdreg $0x0  }
0xae: {  	s5 =	sshll.u32 s28, $0x1;
	[dreg:$0x2] =	wrdreg s3  }
0xaf: {  	[dreg:$0x3] =	wrdreg s5  }
0xb0: {  	[dreg:$0x4] =	wrdreg $0xC0  }
0xb1: {  	_ =	task [dreg:s7], $0x5FFFF  }
0xb2: {  	[dreg:$0x1] =	wrdreg $0xFFFFFFFF  }
0xb3: {  	[dreg:$0x0] =	wrdreg $0x60  }
0xb4: {  	[dreg:$0x2] =	wrdreg s16  }
0xb5: {  	[dreg:$0x3] =	wrdreg s24  }
0xb6: {  	[dreg:$0x4] =	wrdreg $0x9  }
0xb7: {  	_ =	task.clear_ibuf [dreg:s7], $0x5FFFF;
	_ =	strace $0x90000046  }
0xb8: {  	s29 =	simm.s32 $0x9;
	_ =	strace $0x80000048  }
0xb9: {  	_ =	swait.ge [sflag:s29], $0x1  }
0xba: {  	[sflag:s29] =	ssyncadd.s32 $0xFFFFFFFF  }
0xbb: {  	_ =	strace $0x90000048  }
0xbc: {  	_ =	sfence  }
0xbd: {  	s30 =	sld [smem:$0x0];
	_ =	sdelay $0x2  }
0xbe: {  	s31 =	sshll.u32 s1, $0xD;
	s1 =	sshrl.u32 s1, $0x2  }
0xbf: {  	s3 =	sand.u32 $0x4000, s31;
	s1 =	sadd.s32 s1, s30  }
0xc0: {  	s0 =	sor.u32 s3, s0;
	s1 =	sshll.u32 s1, $0x11  }
0xc1: {  	s0 =	sor.u32 s1, s0  }
0xc2: {  	s0 =	sadd.s32 $0x8F2B, s0  }
0xc3: {  	[sflag:s0] =	ssyncadd.remote.s32 $0x1  }
0xc4: {  	_ =	sfence.sel $0xFFFF  }
0xc5: {  	[dreg:$0x0] =	wrdreg $0xFFFFFFFF;
	(pc) =	sbr.abs _section_cstart, $3  }
0xc6: {  	[dreg:$0x1] =	wrdreg $0xFFFFFFFF  }
0xc7: {  	_ =	task.clear_ibuf [dreg:s7], $0x2FFFF;
	_ =	strace $0x9FFFFFFF  }
0xc8: {  	(tm) =	ssettm $0x7FFFFFFF  }
0xc9: {  	_ =	shalt  }
tec
execute0_lowered:
.L_overlay_start_1:
0x0: {  	(tag) =	ssettag $0x1  }
0x1: {  	s0 =	rddreg [dreg:$0x0]  }
0x2: {  	s1 =	rddreg [dreg:$0x1];
	s2 =	simm.s32 $0x0;
	s28 =	srdreg.scid  }
0x3: {  	s4 =	stileid.u32;
	[smem:$0x7FF] =	sst s2  }
0x4: {  	s2 =	sand.u32 $0x1, s28;
	s4 =	sshll.u32 s4, $0xA;
	s5 =	sadd.s32 $0xC00, s1  }
0x5: {  	s1 =	sadd.s32 $0x1000, s1;
	s3 =	ssub.s32 $0x2, s2;
	s2 =	sshll.u32 s2, $0x9  }
0x6: {  	_ =	strace $0x80000047;
	[smem:$0x7F9] =	sst s5;
	s2 =	sor.u32 s2, s4  }
0x7: {  	s29 =	sshrl.u32 s3, $0x1;
	[smem:$0x7FB] =	sst s2;
	s2 =	sshrl.u32 s2, $0x3  }
0x8: {  	[smem:$0x7FA] =	sst s1;
	s30 =	ssub.s32 s3, s29;
	s0 =	sadd.s32 s0, s2  }
0x9: {  	s31 =	smax.u32 s30, $0x1;
	[smem:$0x7FC] =	sst s0  }
0xa: {  	s2 =	simm.s32 $0x0;
	[smem:$0x7FD] =	sst s31  }
.LBB2_1:
0xb: {  	s1 =	sld [smem:$0x7F9]  }
0xc: {  	[smem:$0x7F8] =	sst s2  }
0xd: {  	s0 =	simm.s32 $0x0;
	s29 =	simm.s32 $0x200;
	s30 =	simm.s32 $0x3  }
0xe: {  	[tilespmem:s29], [sflag:$0x3] =	stream.linear.gather [hbm4b:s1+s0], $0x1800, $0x38;
	[tilespmem:$0x9A00] =	vst v63  }
0xf: {  	_ =	swait.ge [sflag:s30], $0x1800  }
0x10: {  	s31 =	sld [smem:$0x7FC]  }
0x11: {  	[sflag:s30] =	ssyncset.done $0x0  }
0x12: {  	[sflag:s30] =	ssyncadd.s32 $0xFFFFE800  }
0x13: {  	[tilespmem:s0], [sflag:$0x3] =	stream.linear.gather [hbm4b:s31+s0], $0x200, $0x38;
	[tilespmem:$0x9A00] =	vst v63  }
0x14: {  	_ =	swait.ge [sflag:s30], $0x200  }
0x15: {  	[sflag:s30] =	ssyncset.done $0x0  }
0x16: {  	s1 =	simm.s32 $0x0;
	[sflag:s30] =	ssyncadd.s32 $0xFFFFFE00  }
.LBB2_2:
0x17: {  	p0 =	seq.s32 s1, $0x0  }
0x18: {  	s0 =	simm.s32 @!p0 $0x1  }
0x19: {  	_ =	swait.ge @!p0 [sflag:s0], $0x4000  }
0x1a: {  	[sflag:s0] =	ssyncset.done @!p0 $0x0  }
0x1b: {  	s21 =	sshll.u32 s1, $0x5;
	[sflag:s0] =	ssyncadd.s32 @!p0 $0xFFFFC000  }
0x1c: {  	v0 =	vld [tilespmem:s21+$0x0];
	_ =	sdelay $0x4  }
0x1d: {  	v0 =	vshll.u32 v0, $0xC  }
0x1e: {  	v0 =	vshra.s32 v0, $0x2  }
0x1f: {  	(v2sf) =	vpush v0, $0x0  }
0x20: {  	(v2sf) =	vpush v0, $0x1  }
0x21: {  	(v2sf) =	vpush v0, $0x2;
	_ =	sdelay $0x1  }
0x22: {  	(v2sf) =	vpush v0, $0x3  }
0x23: {  	(v2sf) =	vpush v0, $0x4  }
0x24: {  	(v2sf) =	vpush v0, $0x5  }
0x25: {  	(v2sf) =	vpush v0, $0x6  }
0x26: {  	(v2sf) =	vpush v0, $0x7  }
0x27: {  	(v2sf) =	vpush v0, $0x8;
	_ =	sdelay $0x1  }
0x28: {  	(v2sf) =	vpush v0, $0x9  }
0x29: {  	(v2sf) =	vpush v0, $0xA  }
0x2a: {  	(v2sf) =	vpush v0, $0xB  }
0x2b: {  	(v2sf) =	vpush v0, $0xC  }
0x2c: {  	[smem:$0x7F6] =	sst s1;
	(v2sf) =	vpush v0, $0xD;
	s22 =	spop (v2sf)  }
0x2d: {  	[smem:$0x7F7] =	sst s21;
	(v2sf) =	vpush v0, $0xE;
	s23 =	spop (v2sf);
	s0 =	sor.u32 $0x200, s22  }
0x2e: {  	(v2sf) =	vpush v0, $0xF;
	s2 =	spop (v2sf);
	[dreg:$0x3] =	wrdreg s0;
	s24 =	sor.u32 $0x200, s23  }
0x2f: {  	[dreg:$0x4] =	wrdreg s24;
	s25 =	sor.u32 $0x200, s2  }
0x30: {  	s26 =	spop (v2sf);
	s23 =	rddreg [dreg:$0x3];
	s24 =	simm.s32 $0x0  }
0x31: {  	s29 =	spop (v2sf);
	[dreg:$0x5] =	wrdreg s25;
	s30 =	sor.u32 $0x200, s26  }
0x32: {  	s31 =	spop (v2sf);
	[dreg:$0x6] =	wrdreg s30;
	s3 =	sor.u32 $0x200, s29  }
0x33: {  	s4 =	spop (v2sf);
	[dreg:$0x7] =	wrdreg s3;
	s5 =	sor.u32 $0x200, s31  }
0x34: {  	s3 =	simm.s32 $0x30;
	s6 =	spop (v2sf);
	[dreg:$0x8] =	wrdreg s5  }
0x35: {  	s7 =	sor.u32 $0x200, s4;
	s3 =	sand.u32 $0x70, s3;
	s8 =	spop (v2sf)  }
0x36: {  	[dreg:$0x9] =	wrdreg s7;
	s9 =	sor.u32 $0x200, s6;
	s6 =	sand.u32 $0x380, s24  }
0x37: {  	s10 =	spop (v2sf);
	[dreg:$0xa] =	wrdreg s9;
	s11 =	sor.u32 $0x200, s8  }
0x38: {  	s12 =	spop (v2sf);
	[dreg:$0xb] =	wrdreg s11;
	s13 =	sor.u32 $0x200, s10  }
0x39: {  	s14 =	spop (v2sf);
	[dreg:$0xc] =	wrdreg s13;
	s15 =	sor.u32 $0x200, s12  }
0x3a: {  	s16 =	spop (v2sf);
	[dreg:$0xd] =	wrdreg s15;
	s17 =	sor.u32 $0x200, s14  }
0x3b: {  	s18 =	spop (v2sf);
	[dreg:$0xe] =	wrdreg s17;
	s19 =	sor.u32 $0x200, s16  }
0x3c: {  	[dreg:$0xf] =	wrdreg s19;
	s20 =	sor.u32 $0x200, s18;
	s21 =	spop (v2sf)  }
0x3d: {  	[dreg:$0x10] =	wrdreg s20;
	s22 =	sor.u32 $0x200, s21;
	s25 =	spop (v2sf)  }
0x3e: {  	s1 =	sadd.s32 s6, s23;
	[dreg:$0x11] =	wrdreg s22;
	s2 =	sor.u32 $0x200, s25  }
0x3f: {  	s26 =	sadd.s32 s3, s1;
	s20 =	sand.u32 $0x40, s24;
	[dreg:$0x12] =	wrdreg s2  }
0x40: {  	s29 =	sadd.s32 s20, s1;
	v0 =	vld [tilespmem:s26+$0x0]  }
0x41: {  	s30 =	simm.s32 $0x10;
	v1 =	vld [tilespmem:s29+$0x0]  }
0x42: {  	s4 =	simm.s32 $0x20;
	s21 =	sand.u32 $0x50, s30  }
0x43: {  	s31 =	rddreg [dreg:$0x4];
	s0 =	sadd.s32 s21, s1;
	s26 =	sand.u32 $0x60, s4  }
0x44: {  	s16 =	simm.s32 $0x3A10;
	v2 =	vld [tilespmem:s0+$0x0];
	s4 =	sadd.s32 s6, s31;
	s1 =	sadd.s32 s26, s1  }
0x45: {  	s5 =	sadd.s32 s3, s4;
	v3 =	vld [tilespmem:s1+$0x0];
	[tilespmem:s16+$0xFFFFE020] =	vst v0  }
0x46: {  	s2 =	sadd.s32 s20, s4;
	[tilespmem:s16+$0xFFFFDFF0] =	vst v1;
	v0 =	vld [tilespmem:s5+$0x0]  }
0x47: {  	v1 =	vld [tilespmem:s2+$0x0];
	_ =	sdelay $0x1  }
0x48: {  	s8 =	sadd.s32 s21, s4;
	s7 =	rddreg [dreg:$0x5];
	[tilespmem:s16+$0xFFFFE000] =	vst v2  }
0x49: {  	s0 =	sadd.s32 s26, s4;
	v2 =	vld [tilespmem:s8+$0x0];
	[tilespmem:s16+$0xFFFFE010] =	vst v3;
	s1 =	sadd.s32 s6, s7  }
0x4a: {  	s25 =	sor.u32 s20, s6;
	v3 =	vld [tilespmem:s0+$0x0];
	s9 =	sadd.s32 s3, s1;
	[tilespmem:s16+$0xFFFFE420] =	vst v0  }
0x4b: {  	s10 =	sadd.s32 s20, s1;
	[tilespmem:s25+$0x1E00] =	vst v1;
	v0 =	vld [tilespmem:s9+$0x0]  }
0x4c: {  	v1 =	vld [tilespmem:s10+$0x0];
	_ =	sdelay $0x1  }
0x4d: {  	s12 =	sadd.s32 s21, s1;
	s11 =	rddreg [dreg:$0x6];
	[tilespmem:s16+$0xFFFFE400] =	vst v2  }
0x4e: {  	s1 =	sadd.s32 s26, s1;
	v2 =	vld [tilespmem:s12+$0x0];
	[tilespmem:s16+$0xFFFFE410] =	vst v3;
	s0 =	sadd.s32 s6, s11  }
0x4f: {  	v3 =	vld [tilespmem:s1+$0x0];
	s13 =	sadd.s32 s3, s0;
	[tilespmem:s16+$0xFFFFE820] =	vst v0  }
0x50: {  	s14 =	sadd.s32 s20, s0;
	[tilespmem:s25+$0x2200] =	vst v1;
	v0 =	vld [tilespmem:s13+$0x0]  }
0x51: {  	v1 =	vld [tilespmem:s14+$0x0];
	_ =	sdelay $0x1  }
0x52: {  	s17 =	sadd.s32 s21, s0;
	s15 =	rddreg [dreg:$0x7];
	[tilespmem:s16+$0xFFFFE800] =	vst v2  }
0x53: {  	s0 =	sadd.s32 s26, s0;
	v2 =	vld [tilespmem:s17+$0x0];
	[tilespmem:s16+$0xFFFFE810] =	vst v3;
	s1 =	sadd.s32 s6, s15  }
0x54: {  	v3 =	vld [tilespmem:s0+$0x0];
	s18 =	sadd.s32 s3, s1;
	[tilespmem:s16+$0xFFFFEC20] =	vst v0  }
0x55: {  	s19 =	sadd.s32 s20, s1;
	[tilespmem:s25+$0x2600] =	vst v1;
	v0 =	vld [tilespmem:s18+$0x0]  }
0x56: {  	v1 =	vld [tilespmem:s19+$0x0];
	_ =	sdelay $0x1  }
0x57: {  	s23 =	sadd.s32 s21, s1;
	s22 =	rddreg [dreg:$0x8];
	[tilespmem:s16+$0xFFFFEC00] =	vst v2  }
0x58: {  	s1 =	sadd.s32 s26, s1;
	v2 =	vld [tilespmem:s23+$0x0];
	[tilespmem:s16+$0xFFFFEC10] =	vst v3;
	s0 =	sadd.s32 s6, s22  }
0x59: {  	v3 =	vld [tilespmem:s1+$0x0];
	s24 =	sadd.s32 s3, s0;
	[tilespmem:s16+$0xFFFFF020] =	vst v0  }
0x5a: {  	s29 =	sadd.s32 s20, s0;
	[tilespmem:s25+$0x2A00] =	vst v1;
	v0 =	vld [tilespmem:s24+$0x0]  }
0x5b: {  	v1 =	vld [tilespmem:s29+$0x0];
	_ =	sdelay $0x1  }
0x5c: {  	s31 =	sadd.s32 s21, s0;
	s30 =	rddreg [dreg:$0x9];
	[tilespmem:s16+$0xFFFFF000] =	vst v2  }
0x5d: {  	s0 =	sadd.s32 s26, s0;
	v2 =	vld [tilespmem:s31+$0x0];
	[tilespmem:s16+$0xFFFFF010] =	vst v3;
	s1 =	sadd.s32 s6, s30  }
0x5e: {  	v3 =	vld [tilespmem:s0+$0x0];
	s2 =	sadd.s32 s3, s1;
	[tilespmem:s16+$0xFFFFF420] =	vst v0  }
0x5f: {  	s4 =	sadd.s32 s20, s1;
	[tilespmem:s25+$0x2E00] =	vst v1;
	v0 =	vld [tilespmem:s2+$0x0]  }
0x60: {  	v1 =	vld [tilespmem:s4+$0x0];
	_ =	sdelay $0x1  }
0x61: {  	s7 =	sadd.s32 s21, s1;
	s5 =	rddreg [dreg:$0xa];
	[tilespmem:s16+$0xFFFFF400] =	vst v2  }
0x62: {  	s1 =	sadd.s32 s26, s1;
	v2 =	vld [tilespmem:s7+$0x0];
	[tilespmem:s16+$0xFFFFF410] =	vst v3;
	s0 =	sadd.s32 s6, s5  }
0x63: {  	v3 =	vld [tilespmem:s1+$0x0];
	s8 =	sadd.s32 s3, s0;
	[tilespmem:s16+$0xFFFFF820] =	vst v0  }
0x64: {  	s9 =	sadd.s32 s20, s0;
	[tilespmem:s25+$0x3200] =	vst v1;
	v0 =	vld [tilespmem:s8+$0x0]  }
0x65: {  	v1 =	vld [tilespmem:s9+$0x0];
	_ =	sdelay $0x1  }
0x66: {  	s11 =	sadd.s32 s21, s0;
	s10 =	rddreg [dreg:$0xb];
	[tilespmem:s16+$0xFFFFF800] =	vst v2  }
0x67: {  	s0 =	sadd.s32 s26, s0;
	v2 =	vld [tilespmem:s11+$0x0];
	[tilespmem:s16+$0xFFFFF810] =	vst v3;
	s1 =	sadd.s32 s6, s10  }
0x68: {  	v3 =	vld [tilespmem:s0+$0x0];
	s12 =	sadd.s32 s3, s1;
	[tilespmem:s16+$0xFFFFFC20] =	vst v0  }
0x69: {  	s13 =	sadd.s32 s20, s1;
	[tilespmem:s25+$0x3600] =	vst v1;
	v0 =	vld [tilespmem:s12+$0x0]  }
0x6a: {  	v1 =	vld [tilespmem:s13+$0x0];
	_ =	sdelay $0x1  }
0x6b: {  	s15 =	sadd.s32 s21, s1;
	s14 =	rddreg [dreg:$0xc];
	[tilespmem:s16+$0xFFFFFC00] =	vst v2  }
0x6c: {  	s1 =	sadd.s32 s26, s1;
	v2 =	vld [tilespmem:s15+$0x0];
	[tilespmem:s16+$0xFFFFFC10] =	vst v3;
	s0 =	sadd.s32 s6, s14  }
0x6d: {  	v3 =	vld [tilespmem:s1+$0x0];
	s17 =	sadd.s32 s3, s0;
	[tilespmem:s16+$0x20] =	vst v0  }
0x6e: {  	s18 =	sadd.s32 s20, s0;
	[tilespmem:s25+$0x3A00] =	vst v1;
	v0 =	vld [tilespmem:s17+$0x0]  }
0x6f: {  	v1 =	vld [tilespmem:s18+$0x0];
	_ =	sdelay $0x1  }
0x70: {  	s19 =	rddreg [dreg:$0xd];
	[tilespmem:s16+$0x0] =	vst v2  }
0x71: {  	s22 =	sadd.s32 s21, s0;
	[tilespmem:s16+$0x10] =	vst v3  }
0x72: {  	s0 =	sadd.s32 s26, s0;
	s2 =	sadd.s32 s6, s19;
	v2 =	vld [tilespmem:s22+$0x0];
	[tilespmem:s16+$0x420] =	vst v0  }
0x73: {  	s23 =	simm.s32 $0x40;
	s1 =	sadd.s32 s3, s2;
	[tilespmem:s25+$0x3E00] =	vst v1;
	v1 =	vld [tilespmem:s0+$0x0]  }
0x74: {  	s5 =	rddreg [dreg:$0x3];
	s7 =	simm.s32 $0x70;
	v0 =	vld [tilespmem:s1+$0x0];
	s1 =	sand.u32 $0x380, s23  }
0x75: {  	s0 =	sand.u32 $0x70, s7;
	s5 =	sadd.s32 s1, s5  }
0x76: {  	s29 =	sand.u32 $0x40, s23;
	s9 =	simm.s32 $0x50;
	s24 =	sadd.s32 s0, s5  }
0x77: {  	s30 =	simm.s32 $0x60;
	s31 =	sand.u32 $0x50, s9;
	s10 =	sadd.s32 s29, s5;
	v3 =	vld [tilespmem:s24+$0x0]  }
0x78: {  	s30 =	sand.u32 $0x60, s30;
	s8 =	rddreg [dreg:$0xe];
	[tilespmem:s16+$0x400] =	vst v2;
	s9 =	sadd.s32 s31, s5;
	v2 =	vld [tilespmem:s10+$0x0]  }
0x79: {  	s7 =	sadd.s32 s6, s8;
	s5 =	sadd.s32 s30, s5;
	[tilespmem:s16+$0x410] =	vst v1;
	v1 =	vld [tilespmem:s9+$0x0]  }
0x7a: {  	s11 =	sadd.s32 s3, s7;
	s10 =	rddreg [dreg:$0x4];
	v4 =	vld [tilespmem:s5+$0x0];
	[tilespmem:s16+$0x820] =	vst v0  }
0x7b: {  	s18 =	simm.s32 $0x3A50;
	s15 =	sadd.s32 s20, s2;
	s8 =	sadd.s32 s1, s10;
	v0 =	vld [tilespmem:s11+$0x0]  }
0x7c: {  	v5 =	vld [tilespmem:s15+$0x0];
	s13 =	sadd.s32 s0, s8;
	[tilespmem:s18+$0xFFFFE020] =	vst v3  }
0x7d: {  	s14 =	sadd.s32 s29, s8;
	s12 =	rddreg [dreg:$0xf];
	[tilespmem:s18+$0xFFFFDFF0] =	vst v2;
	v2 =	vld [tilespmem:s13+$0x0]  }
0x7e: {  	s22 =	sadd.s32 s31, s8;
	v3 =	vld [tilespmem:s14+$0x0];
	s17 =	rddreg [dreg:$0x5];
	[tilespmem:s18+$0xFFFFE000] =	vst v1  }
0x7f: {  	s8 =	sadd.s32 s30, s8;
	s5 =	sadd.s32 s6, s12;
	[tilespmem:s18+$0xFFFFE010] =	vst v4;
	v1 =	vld [tilespmem:s22+$0x0]  }
0x80: {  	s19 =	sadd.s32 s3, s5;
	v4 =	vld [tilespmem:s8+$0x0];
	[tilespmem:s16+$0xC20] =	vst v0  }
0x81: {  	s11 =	sadd.s32 s21, s2;
	s24 =	sadd.s32 s1, s17;
	v0 =	vld [tilespmem:s19+$0x0];
	s23 =	rddreg [dreg:$0x10];
	[tilespmem:s25+$0x4200] =	vst v5  }
0x82: {  	s17 =	sor.u32 s29, s1;
	s4 =	sadd.s32 s0, s24;
	v5 =	vld [tilespmem:s11+$0x0];
	[tilespmem:s18+$0xFFFFE420] =	vst v2  }
0x83: {  	s12 =	sadd.s32 s29, s24;
	[tilespmem:s17+$0x1E00] =	vst v3;
	v2 =	vld [tilespmem:s4+$0x0]  }
0x84: {  	s14 =	sadd.s32 s31, s24;
	v3 =	vld [tilespmem:s12+$0x0];
	s13 =	rddreg [dreg:$0x6];
	[tilespmem:s18+$0xFFFFE400] =	vst v1  }
0x85: {  	s15 =	sadd.s32 s30, s24;
	s4 =	sadd.s32 s6, s23;
	[tilespmem:s18+$0xFFFFE410] =	vst v4;
	v1 =	vld [tilespmem:s14+$0x0]  }
0x86: {  	s9 =	sadd.s32 s3, s4;
	v4 =	vld [tilespmem:s15+$0x0];
	[tilespmem:s16+$0x1020] =	vst v0  }
0x87: {  	s24 =	sadd.s32 s26, s2;
	s8 =	sadd.s32 s1, s13;
	v0 =	vld [tilespmem:s9+$0x0];
	s19 =	rddreg [dreg:$0x11];
	[tilespmem:s16+$0x800] =	vst v5  }
0x88: {  	s22 =	sadd.s32 s0, s8;
	v5 =	vld [tilespmem:s24+$0x0];
	[tilespmem:s18+$0xFFFFE820] =	vst v2  }
0x89: {  	s23 =	sadd.s32 s29, s8;
	[tilespmem:s17+$0x2200] =	vst v3;
	v2 =	vld [tilespmem:s22+$0x0]  }
0x8a: {  	s14 =	sadd.s32 s31, s8;
	v3 =	vld [tilespmem:s23+$0x0];
	s12 =	rddreg [dreg:$0x7];
	[tilespmem:s18+$0xFFFFE800] =	vst v1  }
0x8b: {  	s8 =	sadd.s32 s30, s8;
	s2 =	sadd.s32 s6, s19;
	[tilespmem:s18+$0xFFFFE810] =	vst v4;
	v1 =	vld [tilespmem:s14+$0x0]  }
0x8c: {  	s13 =	sadd.s32 s3, s2;
	v4 =	vld [tilespmem:s8+$0x0];
	[tilespmem:s16+$0x1420] =	vst v0  }
0x8d: {  	s10 =	sadd.s32 s1, s12;
	s12 =	sadd.s32 s20, s7;
	v0 =	vld [tilespmem:s13+$0x0];
	s15 =	rddreg [dreg:$0x12];
	[tilespmem:s16+$0x810] =	vst v5  }
0x8e: {  	s19 =	sadd.s32 s0, s10;
	v5 =	vld [tilespmem:s12+$0x0];
	[tilespmem:s18+$0xFFFFEC20] =	vst v2  }
0x8f: {  	s22 =	sadd.s32 s29, s10;
	[tilespmem:s17+$0x2600] =	vst v3;
	v2 =	vld [tilespmem:s19+$0x0]  }
0x90: {  	s24 =	sadd.s32 s31, s10;
	v3 =	vld [tilespmem:s22+$0x0];
	s23 =	rddreg [dreg:$0x8];
	[tilespmem:s18+$0xFFFFEC00] =	vst v1  }
0x91: {  	s11 =	sadd.s32 s30, s10;
	s8 =	sadd.s32 s6, s15;
	[tilespmem:s18+$0xFFFFEC10] =	vst v4;
	v1 =	vld [tilespmem:s24+$0x0]  }
0x92: {  	s3 =	sadd.s32 s3, s8;
	v4 =	vld [tilespmem:s11+$0x0];
	[tilespmem:s16+$0x1820] =	vst v0  }
0x93: {  	s14 =	sadd.s32 s21, s7;
	s6 =	sadd.s32 s1, s23;
	[tilespmem:s25+$0x4600] =	vst v5;
	v0 =	vld [tilespmem:s3+$0x0]  }
0x94: {  	s12 =	sadd.s32 s0, s6;
	v5 =	vld [tilespmem:s14+$0x0];
	[tilespmem:s18+$0xFFFFF020] =	vst v2  }
0x95: {  	s13 =	sadd.s32 s29, s6;
	[tilespmem:s17+$0x2A00] =	vst v3;
	v2 =	vld [tilespmem:s12+$0x0]  }
0x96: {  	s19 =	sadd.s32 s31, s6;
	v3 =	vld [tilespmem:s13+$0x0];
	s15 =	rddreg [dreg:$0x9];
	[tilespmem:s18+$0xFFFFF000] =	vst v1  }
0x97: {  	s7 =	sadd.s32 s26, s7;
	[tilespmem:s18+$0xFFFFF010] =	vst v4;
	v1 =	vld [tilespmem:s19+$0x0]  }
0x98: {  	s6 =	sadd.s32 s30, s6;
	[tilespmem:s16+$0x1C20] =	vst v0;
	v0 =	vld [tilespmem:s7+$0x0]  }
0x99: {  	s9 =	sadd.s32 s20, s5;
	s22 =	sadd.s32 s1, s15;
	v4 =	vld [tilespmem:s6+$0x0];
	[tilespmem:s16+$0xC00] =	vst v5  }
0x9a: {  	v5 =	vld [tilespmem:s9+$0x0];
	s23 =	sadd.s32 s0, s22;
	[tilespmem:s18+$0xFFFFF420] =	vst v2  }
0x9b: {  	s24 =	sadd.s32 s29, s22;
	[tilespmem:s17+$0x2E00] =	vst v3;
	v2 =	vld [tilespmem:s23+$0x0]  }
0x9c: {  	s11 =	sadd.s32 s21, s5;
	v3 =	vld [tilespmem:s24+$0x0];
	s10 =	rddreg [dreg:$0xa];
	[tilespmem:s18+$0xFFFFF400] =	vst v1  }
0x9d: {  	s12 =	sadd.s32 s31, s22;
	[tilespmem:s16+$0xC10] =	vst v0;
	v0 =	vld [tilespmem:s11+$0x0]  }
0x9e: {  	s3 =	sadd.s32 s30, s22;
	[tilespmem:s18+$0xFFFFF410] =	vst v4;
	v1 =	vld [tilespmem:s12+$0x0]  }
0x9f: {  	s15 =	sadd.s32 s26, s5;
	[tilespmem:s25+$0x4A00] =	vst v5;
	s13 =	sadd.s32 s1, s10;
	v4 =	vld [tilespmem:s3+$0x0]  }
0xa0: {  	s14 =	sadd.s32 s0, s13;
	v5 =	vld [tilespmem:s15+$0x0];
	[tilespmem:s18+$0xFFFFF820] =	vst v2  }
0xa1: {  	s22 =	sadd.s32 s20, s4;
	[tilespmem:s17+$0x3200] =	vst v3;
	v2 =	vld [tilespmem:s14+$0x0]  }
0xa2: {  	s7 =	sadd.s32 s29, s13;
	[tilespmem:s16+$0x1000] =	vst v0;
	v0 =	vld [tilespmem:s22+$0x0]  }
0xa3: {  	s23 =	sadd.s32 s31, s13;
	v3 =	vld [tilespmem:s7+$0x0];
	s19 =	rddreg [dreg:$0xb];
	[tilespmem:s18+$0xFFFFF800] =	vst v1  }
0xa4: {  	s6 =	sadd.s32 s30, s13;
	[tilespmem:s18+$0xFFFFF810] =	vst v4;
	v1 =	vld [tilespmem:s23+$0x0]  }
0xa5: {  	s9 =	sadd.s32 s21, s4;
	v4 =	vld [tilespmem:s6+$0x0];
	[tilespmem:s16+$0x1010] =	vst v5  }
0xa6: {  	s4 =	sadd.s32 s26, s4;
	s24 =	sadd.s32 s1, s19;
	v5 =	vld [tilespmem:s9+$0x0];
	[tilespmem:s18+$0xFFFFFC20] =	vst v2  }
0xa7: {  	s5 =	sadd.s32 s0, s24;
	[tilespmem:s25+$0x4E00] =	vst v0;
	v0 =	vld [tilespmem:s4+$0x0]  }
0xa8: {  	s7 =	sadd.s32 s29, s24;
	[tilespmem:s17+$0x3600] =	vst v3;
	v2 =	vld [tilespmem:s5+$0x0]  }
0xa9: {  	v3 =	vld [tilespmem:s7+$0x0];
	s10 =	rddreg [dreg:$0xc];
	[tilespmem:s18+$0xFFFFFC00] =	vst v1  }
0xaa: {  	s11 =	sadd.s32 s31, s24;
	[tilespmem:s18+$0xFFFFFC10] =	vst v4  }
0xab: {  	s3 =	sadd.s32 s30, s24;
	[tilespmem:s16+$0x1400] =	vst v5;
	v1 =	vld [tilespmem:s11+$0x0]  }
0xac: {  	s22 =	sadd.s32 s21, s2;
	s12 =	sadd.s32 s1, s10;
	v4 =	vld [tilespmem:s3+$0x0];
	[tilespmem:s16+$0x1410] =	vst v0  }
0xad: {  	s13 =	sadd.s32 s0, s12;
	v0 =	vld [tilespmem:s22+$0x0];
	[tilespmem:s18+$0x20] =	vst v2  }
0xae: {  	s14 =	sadd.s32 s29, s12;
	[tilespmem:s17+$0x3A00] =	vst v3;
	v2 =	vld [tilespmem:s13+$0x0]  }
0xaf: {  	s15 =	sadd.s32 s20, s2;
	v3 =	vld [tilespmem:s14+$0x0]  }
0xb0: {  	v5 =	vld [tilespmem:s15+$0x0];
	s23 =	sadd.s32 s31, s12;
	s19 =	rddreg [dreg:$0xd];
	[tilespmem:s18+$0x0] =	vst v1  }
0xb1: {  	s4 =	sadd.s32 s30, s12;
	[tilespmem:s18+$0x10] =	vst v4;
	v1 =	vld [tilespmem:s23+$0x0]  }
0xb2: {  	s2 =	sadd.s32 s26, s2;
	s9 =	simm.s32 $0x80;
	s12 =	sadd.s32 s21, s8;
	v4 =	vld [tilespmem:s4+$0x0];
	[tilespmem:s16+$0x1800] =	vst v0  }
0xb3: {  	s24 =	rddreg [dreg:$0x3];
	s7 =	sadd.s32 s20, s8;
	s3 =	sadd.s32 s1, s19;
	v0 =	vld [tilespmem:s12+$0x0];
	[tilespmem:s18+$0x420] =	vst v2  }
0xb4: {  	s20 =	sand.u32 $0x380, s9;
	s10 =	simm.s32 $0xB0;
	s5 =	sadd.s32 s0, s3;
	[tilespmem:s17+$0x3E00] =	vst v3;
	v3 =	vld [tilespmem:s2+$0x0]  }
0xb5: {  	s21 =	sand.u32 $0x40, s9;
	s22 =	sand.u32 $0x70, s10;
	[tilespmem:s25+$0x5200] =	vst v5;
	s4 =	sadd.s32 s20, s24;
	v2 =	vld [tilespmem:s5+$0x0]  }
0xb6: {  	v5 =	vld [tilespmem:s7+$0x0];
	s13 =	simm.s32 $0x90;
	s11 =	rddreg [dreg:$0xe];
	[tilespmem:s18+$0x400] =	vst v1;
	s5 =	sadd.s32 s22, s4  }
0xb7: {  	s14 =	simm.s32 $0xA0;
	s23 =	sand.u32 $0x50, s13;
	s15 =	sadd.s32 s21, s4;
	[tilespmem:s18+$0x410] =	vst v4;
	v1 =	vld [tilespmem:s5+$0x0]  }
0xb8: {  	s24 =	sand.u32 $0x60, s14;
	s10 =	sadd.s32 s23, s4;
	v4 =	vld [tilespmem:s15+$0x0];
	[tilespmem:s16+$0x1C00] =	vst v0  }
0xb9: {  	s4 =	sadd.s32 s24, s4;
	s5 =	sadd.s32 s1, s11;
	[tilespmem:s16+$0x1810] =	vst v3;
	v3 =	vld [tilespmem:s10+$0x0]  }
0xba: {  	s19 =	rddreg [dreg:$0x4];
	s9 =	sadd.s32 s0, s5;
	v0 =	vld [tilespmem:s4+$0x0];
	[tilespmem:s18+$0x820] =	vst v2  }
0xbb: {  	s28 =	simm.s32 $0x3A90;
	s12 =	sadd.s32 s29, s3;
	[tilespmem:s25+$0x5600] =	vst v5;
	s2 =	sadd.s32 s20, s19;
	v2 =	vld [tilespmem:s9+$0x0]  }
0xbc: {  	s13 =	sadd.s32 s22, s2;
	[tilespmem:s28+$0xFFFFE020] =	vst v1;
	v1 =	vld [tilespmem:s12+$0x0]  }
0xbd: {  	s14 =	sadd.s32 s21, s2;
	[tilespmem:s28+$0xFFFFDFF0] =	vst v4;
	s11 =	rddreg [dreg:$0xf];
	v4 =	vld [tilespmem:s13+$0x0]  }
0xbe: {  	s25 =	sadd.s32 s23, s2;
	v5 =	vld [tilespmem:s14+$0x0];
	s15 =	rddreg [dreg:$0x5];
	[tilespmem:s28+$0xFFFFE000] =	vst v3  }
0xbf: {  	s2 =	sadd.s32 s24, s2;
	s4 =	sadd.s32 s1, s11;
	[tilespmem:s28+$0xFFFFE010] =	vst v0;
	v3 =	vld [tilespmem:s25+$0x0]  }
0xc0: {  	s19 =	sadd.s32 s0, s4;
	v0 =	vld [tilespmem:s2+$0x0];
	[tilespmem:s18+$0xC20] =	vst v2  }
0xc1: {  	s11 =	sadd.s32 s31, s3;
	s6 =	sadd.s32 s20, s15;
	v2 =	vld [tilespmem:s19+$0x0];
	s10 =	rddreg [dreg:$0x10];
	[tilespmem:s17+$0x4200] =	vst v1  }
0xc2: {  	s12 =	sadd.s32 s22, s6;
	s25 =	sor.u32 s21, s20;
	[tilespmem:s28+$0xFFFFE420] =	vst v4;
	v1 =	vld [tilespmem:s11+$0x0]  }
0xc3: {  	s13 =	sadd.s32 s21, s6;
	[tilespmem:s25+$0x1E00] =	vst v5;
	v4 =	vld [tilespmem:s12+$0x0]  }
0xc4: {  	v5 =	vld [tilespmem:s13+$0x0];
	s19 =	sadd.s32 s23, s6;
	s14 =	rddreg [dreg:$0x6];
	[tilespmem:s28+$0xFFFFE400] =	vst v3  }
0xc5: {  	s6 =	sadd.s32 s24, s6;
	s2 =	sadd.s32 s1, s10;
	[tilespmem:s28+$0xFFFFE410] =	vst v0;
	v3 =	vld [tilespmem:s19+$0x0]  }
0xc6: {  	s15 =	sadd.s32 s0, s2;
	v0 =	vld [tilespmem:s6+$0x0];
	[tilespmem:s18+$0x1020] =	vst v2  }
0xc7: {  	s3 =	sadd.s32 s30, s3;
	s7 =	sadd.s32 s20, s14;
	v2 =	vld [tilespmem:s15+$0x0];
	s10 =	rddreg [dreg:$0x11];
	[tilespmem:s18+$0x800] =	vst v1  }
0xc8: {  	s11 =	sadd.s32 s22, s7;
	[tilespmem:s28+$0xFFFFE820] =	vst v4;
	v1 =	vld [tilespmem:s3+$0x0]  }
0xc9: {  	s12 =	sadd.s32 s21, s7;
	[tilespmem:s25+$0x2200] =	vst v5;
	v4 =	vld [tilespmem:s11+$0x0]  }
0xca: {  	s14 =	sadd.s32 s23, s7;
	v5 =	vld [tilespmem:s12+$0x0];
	s13 =	rddreg [dreg:$0x7];
	[tilespmem:s28+$0xFFFFE800] =	vst v3  }
0xcb: {  	s7 =	sadd.s32 s24, s7;
	s3 =	sadd.s32 s1, s10;
	[tilespmem:s28+$0xFFFFE810] =	vst v0;
	v3 =	vld [tilespmem:s14+$0x0]  }
0xcc: {  	s9 =	sadd.s32 s0, s3;
	v0 =	vld [tilespmem:s7+$0x0];
	[tilespmem:s18+$0x1420] =	vst v2  }
0xcd: {  	s19 =	sadd.s32 s29, s5;
	s6 =	sadd.s32 s20, s13;
	v2 =	vld [tilespmem:s9+$0x0];
	s15 =	rddreg [dreg:$0x12];
	[tilespmem:s18+$0x810] =	vst v1  }
0xce: {  	s10 =	sadd.s32 s22, s6;
	[tilespmem:s28+$0xFFFFEC20] =	vst v4;
	v1 =	vld [tilespmem:s19+$0x0]  }
0xcf: {  	s11 =	sadd.s32 s21, s6;
	[tilespmem:s25+$0x2600] =	vst v5;
	v4 =	vld [tilespmem:s10+$0x0]  }
0xd0: {  	s13 =	sadd.s32 s23, s6;
	v5 =	vld [tilespmem:s11+$0x0];
	s12 =	rddreg [dreg:$0x8];
	[tilespmem:s28+$0xFFFFEC00] =	vst v3  }
0xd1: {  	s14 =	sadd.s32 s24, s6;
	s1 =	sadd.s32 s1, s15;
	[tilespmem:s28+$0xFFFFEC10] =	vst v0;
	v3 =	vld [tilespmem:s13+$0x0]  }
0xd2: {  	s0 =	sadd.s32 s0, s1;
	v0 =	vld [tilespmem:s14+$0x0];
	[tilespmem:s18+$0x1820] =	vst v2  }
0xd3: {  	s15 =	sadd.s32 s31, s5;
	s19 =	sadd.s32 s20, s12;
	[tilespmem:s17+$0x4600] =	vst v1;
	v2 =	vld [tilespmem:s0+$0x0]  }
0xd4: {  	s7 =	sadd.s32 s22, s19;
	v1 =	vld [tilespmem:s15+$0x0];
	[tilespmem:s28+$0xFFFFF020] =	vst v4  }
0xd5: {  	s9 =	sadd.s32 s21, s19;
	[tilespmem:s25+$0x2A00] =	vst v5;
	v4 =	vld [tilespmem:s7+$0x0]  }
0xd6: {  	s11 =	sadd.s32 s23, s19;
	v5 =	vld [tilespmem:s9+$0x0];
	s10 =	rddreg [dreg:$0x9];
	[tilespmem:s28+$0xFFFFF000] =	vst v3  }
0xd7: {  	s5 =	sadd.s32 s30, s5;
	[tilespmem:s28+$0xFFFFF010] =	vst v0;
	v3 =	vld [tilespmem:s11+$0x0]  }
0xd8: {  	s6 =	sadd.s32 s24, s19;
	[tilespmem:s18+$0x1C20] =	vst v2;
	v2 =	vld [tilespmem:s5+$0x0]  }
0xd9: {  	s12 =	sadd.s32 s29, s4;
	s0 =	sadd.s32 s20, s10;
	v0 =	vld [tilespmem:s6+$0x0];
	[tilespmem:s18+$0xC00] =	vst v1  }
0xda: {  	s13 =	sadd.s32 s22, s0;
	v1 =	vld [tilespmem:s12+$0x0];
	[tilespmem:s28+$0xFFFFF420] =	vst v4  }
0xdb: {  	s14 =	sadd.s32 s21, s0;
	[tilespmem:s25+$0x2E00] =	vst v5;
	v4 =	vld [tilespmem:s13+$0x0]  }
0xdc: {  	s15 =	sadd.s32 s31, s4;
	v5 =	vld [tilespmem:s14+$0x0];
	s19 =	rddreg [dreg:$0xa];
	[tilespmem:s28+$0xFFFFF400] =	vst v3  }
0xdd: {  	s7 =	sadd.s32 s23, s0;
	[tilespmem:s18+$0xC10] =	vst v2;
	v2 =	vld [tilespmem:s15+$0x0]  }
0xde: {  	s0 =	sadd.s32 s24, s0;
	[tilespmem:s28+$0xFFFFF410] =	vst v0;
	v3 =	vld [tilespmem:s7+$0x0]  }
0xdf: {  	s4 =	sadd.s32 s30, s4;
	s5 =	sadd.s32 s20, s19;
	v0 =	vld [tilespmem:s0+$0x0];
	[tilespmem:s17+$0x4A00] =	vst v1  }
0xe0: {  	s9 =	sadd.s32 s22, s5;
	v1 =	vld [tilespmem:s4+$0x0];
	[tilespmem:s28+$0xFFFFF820] =	vst v4  }
0xe1: {  	s10 =	sadd.s32 s21, s5;
	[tilespmem:s25+$0x3200] =	vst v5;
	v4 =	vld [tilespmem:s9+$0x0]  }
0xe2: {  	s11 =	sadd.s32 s29, s2;
	v5 =	vld [tilespmem:s10+$0x0];
	[tilespmem:s18+$0x1000] =	vst v2  }
0xe3: {  	s13 =	sadd.s32 s23, s5;
	s12 =	rddreg [dreg:$0xb];
	v2 =	vld [tilespmem:s11+$0x0];
	[tilespmem:s28+$0xFFFFF800] =	vst v3  }
0xe4: {  	s14 =	sadd.s32 s24, s5;
	[tilespmem:s28+$0xFFFFF810] =	vst v0;
	v3 =	vld [tilespmem:s13+$0x0]  }
0xe5: {  	s15 =	sadd.s32 s31, s2;
	s4 =	sadd.s32 s20, s12;
	v0 =	vld [tilespmem:s14+$0x0];
	[tilespmem:s18+$0x1010] =	vst v1  }
0xe6: {  	s19 =	sadd.s32 s22, s4;
	v1 =	vld [tilespmem:s15+$0x0];
	[tilespmem:s28+$0xFFFFFC20] =	vst v4  }
0xe7: {  	s5 =	sadd.s32 s21, s4;
	[tilespmem:s25+$0x3600] =	vst v5;
	v4 =	vld [tilespmem:s19+$0x0]  }
0xe8: {  	s2 =	sadd.s32 s30, s2;
	v5 =	vld [tilespmem:s5+$0x0];
	[tilespmem:s17+$0x4E00] =	vst v2  }
0xe9: {  	s7 =	sadd.s32 s23, s4;
	s6 =	rddreg [dreg:$0xc];
	v2 =	vld [tilespmem:s2+$0x0];
	[tilespmem:s28+$0xFFFFFC00] =	vst v3  }
0xea: {  	s9 =	sadd.s32 s24, s4;
	[tilespmem:s28+$0xFFFFFC10] =	vst v0;
	v3 =	vld [tilespmem:s7+$0x0]  }
0xeb: {  	s10 =	sadd.s32 s29, s3;
	s11 =	sadd.s32 s20, s6;
	v6 =	vld [tilespmem:s9+$0x0];
	[tilespmem:s18+$0x1400] =	vst v1  }
0xec: {  	v7 =	vld [tilespmem:s10+$0x0];
	s13 =	sadd.s32 s22, s11;
	[tilespmem:s28+$0x20] =	vst v4  }
0xed: {  	s12 =	sadd.s32 s26, s8;
	s14 =	sadd.s32 s21, s11;
	[tilespmem:s25+$0x3A00] =	vst v5;
	v4 =	vld [tilespmem:s13+$0x0]  }
0xee: {  	s26 =	sadd.s32 s30, s1;
	s8 =	simm.s32 $0xF0;
	s15 =	sadd.s32 s31, s3;
	v1 =	vld [tilespmem:s14+$0x0];
	[tilespmem:s18+$0x1410] =	vst v2  }
0xef: {  	s6 =	sadd.s32 s31, s1;
	s31 =	sadd.s32 s23, s11;
	v0 =	vld [tilespmem:s15+$0x0];
	s19 =	rddreg [dreg:$0xd];
	[tilespmem:s28+$0x0] =	vst v3  }
0xf0: {  	s3 =	sadd.s32 s30, s3;
	s4 =	sadd.s32 s24, s11;
	s7 =	sadd.s32 s29, s1;
	[tilespmem:s28+$0x10] =	vst v6;
	v3 =	vld [tilespmem:s31+$0x0]  }
0xf1: {  	s1 =	simm.s32 $0x8;
	s2 =	sadd.s32 s20, s19;
	[tilespmem:s17+$0x5200] =	vst v7;
	s19 =	simm.s32 $0x3A90;
	v2 =	vld [tilespmem:s4+$0x0]  }
.LBB2_3:
0xf2: {  	[tilespmem:s28+$0x420] =	vst v4  }
0xf3: {  	s5 =	sadd.s32 s22, s2;
	s13 =	sadd.s32 $0xFFFFFFD0, s8;
	v4 =	vld [tilespmem:s3+$0x0];
	[tilespmem:s25+$0x3E00] =	vst v1  }
0xf4: {  	s4 =	rddreg [dreg:$0x3];
	s11 =	sand.u32 $0x380, s13;
	[tilespmem:s18+$0x1800] =	vst v0;
	v1 =	vld [tilespmem:s5+$0x0]  }
0xf5: {  	s31 =	sand.u32 $0x70, s8;
	s15 =	sadd.s32 s11, s4;
	[tilespmem:s28+$0x400] =	vst v3;
	v5 =	vld [tilespmem:s7+$0x0]  }
0xf6: {  	s4 =	sadd.s32 s31, s15;
	v0 =	vld [tilespmem:s6+$0x0]  }
0xf7: {  	s9 =	sadd.s32 $0xFFFFFFE0, s8;
	s13 =	sand.u32 $0x40, s13;
	[tilespmem:s28+$0x410] =	vst v2;
	v3 =	vld [tilespmem:s4+$0x0]  }
0xf8: {  	s10 =	rddreg [dreg:$0xe];
	s9 =	sand.u32 $0x50, s9;
	s0 =	sadd.s32 s13, s15;
	v2 =	vld [tilespmem:s12+$0x0];
	[tilespmem:s18+$0x1810] =	vst v4  }
0xf9: {  	s14 =	sadd.s32 $0xFFFFFFF0, s8;
	s29 =	sadd.s32 s9, s15;
	s4 =	sadd.s32 s20, s10;
	v4 =	vld [tilespmem:s0+$0x0];
	[tilespmem:s28+$0x820] =	vst v1  }
0xfa: {  	s14 =	sand.u32 $0x60, s14;
	s7 =	rddreg [dreg:$0x4];
	s6 =	sadd.s32 s22, s4;
	[tilespmem:s17+$0x5600] =	vst v5;
	v5 =	vld [tilespmem:s29+$0x0]  }
0xfb: {  	s30 =	sadd.s32 s14, s15;
	s0 =	sadd.s32 s11, s7;
	[tilespmem:s18+$0x1C00] =	vst v0;
	s28 =	sadd.s32 $0x40, s28;
	v1 =	vld [tilespmem:s6+$0x0]  }
0xfc: {  	s15 =	sadd.s32 s23, s2;
	v0 =	vld [tilespmem:s30+$0x0];
	s30 =	sadd.s32 s31, s0;
	[tilespmem:s28+$0xFFFFE020] =	vst v3  }
0xfd: {  	s3 =	sadd.s32 s24, s2;
	s12 =	sadd.s32 s21, s2;
	s2 =	rddreg [dreg:$0x5];
	[tilespmem:s16+$0x1C10] =	vst v2;
	v3 =	vld [tilespmem:s30+$0x0]  }
0xfe: {  	s7 =	sadd.s32 s23, s4;
	s29 =	rddreg [dreg:$0xf];
	s17 =	sadd.s32 s13, s0;
	v2 =	vld [tilespmem:s12+$0x0];
	[tilespmem:s28+$0xFFFFDFF0] =	vst v4  }
0xff: {  	[smem:$0x7F0] =	sst s7;
	s7 =	sadd.s32 s9, s0;
	s5 =	sadd.s32 s20, s29;
	v4 =	vld [tilespmem:s17+$0x0];
	[tilespmem:s28+$0xFFFFE000] =	vst v5  }
0x100: {  	s10 =	sor.u32 s13, s11;
	s2 =	sadd.s32 s11, s2;
	s17 =	sadd.s32 s22, s5;
	[tilespmem:s19+$0xC20] =	vst v1;
	v5 =	vld [tilespmem:s7+$0x0]  }
0x101: {  	s0 =	sadd.s32 s14, s0;
	s12 =	sadd.s32 s31, s2;
	s16 =	sadd.s32 s21, s5;
	[tilespmem:s28+$0xFFFFE010] =	vst v0;
	v1 =	vld [tilespmem:s17+$0x0]  }
0x102: {  	s30 =	sadd.s32 s23, s5;
	[smem:$0x7F1] =	sst s16;
	v0 =	vld [tilespmem:s0+$0x0];
	s17 =	smov.u32 s25;
	[tilespmem:s28+$0xFFFFE420] =	vst v3  }
0x103: {  	s16 =	smov.u32 s18;
	s18 =	smov.u32 s19;
	s25 =	smov.u32 s10;
	[tilespmem:s17+$0x4200] =	vst v2;
	v2 =	vld [tilespmem:s15+$0x0]  }
0x104: {  	s5 =	sadd.s32 s24, s5;
	s7 =	rddreg [dreg:$0x10];
	s19 =	sadd.s32 s13, s2;
	v3 =	vld [tilespmem:s12+$0x0];
	[tilespmem:s25+$0x1E00] =	vst v4  }
0x105: {  	[smem:$0x7F3] =	sst s5;
	s10 =	sadd.s32 s9, s2;
	s5 =	sadd.s32 s20, s7;
	v4 =	vld [tilespmem:s19+$0x0];
	[tilespmem:s28+$0xFFFFE400] =	vst v5  }
0x106: {  	[smem:$0x7F2] =	sst s30;
	s19 =	sadd.s32 s22, s5;
	[tilespmem:s18+$0x1020] =	vst v1;
	v5 =	vld [tilespmem:s10+$0x0]  }
0x107: {  	s30 =	sadd.s32 s14, s2;
	s7 =	rddreg [dreg:$0x6];
	[tilespmem:s28+$0xFFFFE410] =	vst v0;
	v1 =	vld [tilespmem:s19+$0x0]  }
0x108: {  	s2 =	smov.u32 s26;
	s26 =	sadd.s32 s23, s5;
	v0 =	vld [tilespmem:s30+$0x0];
	s19 =	sadd.s32 s11, s7;
	[tilespmem:s18+$0x800] =	vst v2  }
0x109: {  	[smem:$0x7F4] =	sst s26;
	[tilespmem:s28+$0xFFFFE820] =	vst v3;
	v2 =	vld [tilespmem:s3+$0x0];
	s26 =	sadd.s32 s31, s19  }
0x10a: {  	s0 =	rddreg [dreg:$0x11];
	s7 =	sadd.s32 s13, s19;
	v3 =	vld [tilespmem:s26+$0x0];
	[tilespmem:s25+$0x2200] =	vst v4  }
0x10b: {  	s0 =	sadd.s32 s20, s0;
	s30 =	sadd.s32 s9, s19;
	v4 =	vld [tilespmem:s7+$0x0];
	[tilespmem:s28+$0xFFFFE800] =	vst v5  }
0x10c: {  	s12 =	sadd.s32 s14, s19;
	s19 =	sadd.s32 s22, s0;
	[tilespmem:s18+$0x1420] =	vst v1;
	v5 =	vld [tilespmem:s30+$0x0]  }
0x10d: {  	s15 =	sadd.s32 s21, s5;
	s5 =	sadd.s32 s24, s5;
	s7 =	rddreg [dreg:$0x7];
	[tilespmem:s28+$0xFFFFE810] =	vst v0;
	v1 =	vld [tilespmem:s19+$0x0]  }
0x10e: {  	s6 =	sadd.s32 s21, s4;
	[smem:$0x7F5] =	sst s5;
	s7 =	sadd.s32 s11, s7;
	v0 =	vld [tilespmem:s12+$0x0];
	[tilespmem:s18+$0x810] =	vst v2  }
0x10f: {  	s5 =	sadd.s32 s21, s0;
	s10 =	sadd.s32 s23, s0;
	v2 =	vld [tilespmem:s6+$0x0];
	s30 =	sadd.s32 s31, s7;
	[tilespmem:s28+$0xFFFFEC20] =	vst v3  }
0x110: {  	s3 =	sadd.s32 s24, s0;
	s0 =	rddreg [dreg:$0x12];
	s12 =	sadd.s32 s13, s7;
	v3 =	vld [tilespmem:s30+$0x0];
	[tilespmem:s25+$0x2600] =	vst v4  }
0x111: {  	s29 =	sadd.s32 s24, s4;
	s0 =	sadd.s32 s20, s0;
	s26 =	sadd.s32 s9, s7;
	v4 =	vld [tilespmem:s12+$0x0];
	[tilespmem:s28+$0xFFFFEC00] =	vst v5  }
0x112: {  	s30 =	sadd.s32 s22, s0;
	s22 =	smov.u32 s31;
	s31 =	sld [smem:$0x7F0];
	[tilespmem:s18+$0x1820] =	vst v1;
	v5 =	vld [tilespmem:s26+$0x0]  }
0x113: {  	s20 =	smov.u32 s11;
	s11 =	rddreg [dreg:$0x8];
	s19 =	sadd.s32 s14, s7;
	[tilespmem:s28+$0xFFFFEC10] =	vst v0;
	v1 =	vld [tilespmem:s30+$0x0]  }
0x114: {  	s7 =	sadd.s32 s21, s0;
	s21 =	smov.u32 s13;
	s13 =	sadd.s32 s20, s11;
	[tilespmem:s17+$0x4600] =	vst v2;
	v0 =	vld [tilespmem:s19+$0x0]  }
0x115: {  	s6 =	sadd.s32 s23, s0;
	s23 =	smov.u32 s9;
	v2 =	vld [tilespmem:s31+$0x0];
	s30 =	sadd.s32 s22, s13;
	[tilespmem:s28+$0xFFFFF020] =	vst v3  }
0x116: {  	s0 =	sadd.s32 s24, s0;
	s24 =	smov.u32 s14;
	s14 =	sadd.s32 s21, s13;
	v3 =	vld [tilespmem:s30+$0x0];
	[tilespmem:s25+$0x2A00] =	vst v4  }
0x117: {  	s11 =	sadd.s32 s23, s13;
	v4 =	vld [tilespmem:s14+$0x0];
	[tilespmem:s28+$0xFFFFF000] =	vst v5  }
0x118: {  	s31 =	sld [smem:$0x7F1];
	[tilespmem:s18+$0x1C20] =	vst v1;
	v5 =	vld [tilespmem:s11+$0x0]  }
0x119: {  	s26 =	smov.u32 s0;
	s0 =	sadd.s32 s24, s13;
	s13 =	rddreg [dreg:$0x9];
	v1 =	vld [tilespmem:s29+$0x0];
	[tilespmem:s28+$0xFFFFF010] =	vst v0  }
0x11a: {  	s9 =	sadd.s32 s20, s13;
	[tilespmem:s18+$0xC00] =	vst v2;
	v0 =	vld [tilespmem:s0+$0x0]  }
0x11b: {  	s13 =	sld [smem:$0x7F2];
	s30 =	sadd.s32 s22, s9;
	v2 =	vld [tilespmem:s31+$0x0];
	[tilespmem:s28+$0xFFFFF420] =	vst v3  }
0x11c: {  	s14 =	sadd.s32 s21, s9;
	v3 =	vld [tilespmem:s30+$0x0];
	[tilespmem:s25+$0x2E00] =	vst v4  }
0x11d: {  	v4 =	vld [tilespmem:s14+$0x0];
	[tilespmem:s28+$0xFFFFF400] =	vst v5  }
0x11e: {  	s4 =	smov.u32 s28;
	s29 =	sadd.s32 s23, s9;
	s31 =	sld [smem:$0x7F3];
	[tilespmem:s18+$0xC10] =	vst v1;
	v1 =	vld [tilespmem:s13+$0x0]  }
0x11f: {  	s19 =	smov.u32 s4;
	s4 =	rddreg [dreg:$0xa];
	s9 =	sadd.s32 s24, s9;
	v5 =	vld [tilespmem:s29+$0x0];
	[tilespmem:s28+$0xFFFFF410] =	vst v0  }
0x120: {  	s0 =	sadd.s32 s20, s4;
	[tilespmem:s17+$0x4A00] =	vst v2;
	v0 =	vld [tilespmem:s9+$0x0]  }
0x121: {  	s30 =	sadd.s32 s22, s0;
	v2 =	vld [tilespmem:s31+$0x0];
	[tilespmem:s28+$0xFFFFF820] =	vst v3  }
0x122: {  	s14 =	sadd.s32 s21, s0;
	v3 =	vld [tilespmem:s30+$0x0];
	[tilespmem:s25+$0x3200] =	vst v4  }
0x123: {  	v4 =	vld [tilespmem:s14+$0x0];
	[tilespmem:s18+$0x1000] =	vst v1  }
0x124: {  	s29 =	sadd.s32 s23, s0;
	s30 =	sld [smem:$0x7F4];
	[tilespmem:s28+$0xFFFFF800] =	vst v5;
	v1 =	vld [tilespmem:s15+$0x0]  }
0x125: {  	s0 =	sadd.s32 s24, s0;
	s13 =	rddreg [dreg:$0xb];
	v5 =	vld [tilespmem:s29+$0x0];
	[tilespmem:s28+$0xFFFFF810] =	vst v0  }
0x126: {  	s4 =	sadd.s32 s20, s13;
	v0 =	vld [tilespmem:s0+$0x0];
	[tilespmem:s18+$0x1010] =	vst v2  }
0x127: {  	s29 =	sadd.s32 s22, s4;
	v2 =	vld [tilespmem:s30+$0x0];
	[tilespmem:s28+$0xFFFFFC20] =	vst v3  }
0x128: {  	s14 =	sadd.s32 s21, s4;
	v3 =	vld [tilespmem:s29+$0x0];
	[tilespmem:s25+$0x3600] =	vst v4  }
0x129: {  	v4 =	vld [tilespmem:s14+$0x0];
	s14 =	sld [smem:$0x7F5]  }
0x12a: {  	s15 =	sadd.s32 s23, s4;
	[tilespmem:s28+$0xFFFFFC00] =	vst v5  }
0x12b: {  	[tilespmem:s17+$0x4E00] =	vst v1;
	v6 =	vld [tilespmem:s15+$0x0]  }
0x12c: {  	s13 =	rddreg [dreg:$0xc];
	s31 =	sadd.s32 s24, s4;
	v5 =	vld [tilespmem:s14+$0x0];
	[tilespmem:s28+$0xFFFFFC10] =	vst v0  }
0x12d: {  	s1 =	sadd.s32 $0x4, s1;
	s0 =	sadd.s32 s20, s13;
	[tilespmem:s18+$0x1400] =	vst v2;
	v7 =	vld [tilespmem:s31+$0x0]  }
0x12e: {  	p1 =	slt.u32 s1, $0x3C;
	s30 =	sadd.s32 s22, s0;
	v8 =	vld [tilespmem:s5+$0x0];
	[tilespmem:s28+$0x20] =	vst v3  }
.Ltmp0:
0x12f: {  	s15 =	sadd.s32 s21, s0;
	[tilespmem:s25+$0x3A00] =	vst v4;
	v4 =	vld [tilespmem:s30+$0x0];
	(pc) =	sbr.rel @p1 .LBB2_3-.Ltmp0, $4  }
0x130: {  	v1 =	vld [tilespmem:s15+$0x0];
	[tilespmem:s28+$0x0] =	vst v6  }
0x131: {  	s29 =	sadd.s32 s23, s0;
	v0 =	vld [tilespmem:s10+$0x0];
	[tilespmem:s18+$0x1410] =	vst v5  }
0x132: {  	s0 =	sadd.s32 s24, s0;
	s31 =	rddreg [dreg:$0xd];
	v3 =	vld [tilespmem:s29+$0x0];
	[tilespmem:s28+$0x10] =	vst v7  }
0x133: {  	s8 =	sadd.s32 $0x40, s8;
	s12 =	smov.u32 s2;
	s2 =	sadd.s32 s20, s31;
	[tilespmem:s17+$0x5200] =	vst v8;
	v2 =	vld [tilespmem:s0+$0x0]  }
0x134: {  	[tilespmem:s28+$0x420] =	vst v4;
	s0 =	sadd.s32 s22, s2  }
0x135: {  	[tilespmem:s25+$0x3E00] =	vst v1;
	v1 =	vld [tilespmem:s0+$0x0];
	_ =	sdelay $0x2  }
0x136: {  	s5 =	rddreg [dreg:$0xe]  }
0x137: {  	s0 =	sadd.s32 s20, s5  }
0x138: {  	s1 =	sadd.s32 s22, s0;
	[tilespmem:s28+$0x820] =	vst v1  }
0x139: {  	v1 =	vld [tilespmem:s1+$0x0]  }
0x13a: {  	[tilespmem:s28+$0x400] =	vst v3  }
0x13b: {  	[tilespmem:s28+$0x410] =	vst v2  }
0x13c: {  	s8 =	rddreg [dreg:$0xf]  }
0x13d: {  	s1 =	sadd.s32 s20, s8  }
0x13e: {  	s4 =	sadd.s32 s22, s1;
	[tilespmem:s19+$0xC20] =	vst v1  }
0x13f: {  	v1 =	vld [tilespmem:s4+$0x0];
	_ =	sdelay $0x1  }
0x140: {  	s5 =	sadd.s32 s21, s2  }
0x141: {  	s10 =	sadd.s32 s23, s2;
	v2 =	vld [tilespmem:s5+$0x0];
	s9 =	rddreg [dreg:$0x10]  }
0x142: {  	v3 =	vld [tilespmem:s10+$0x0];
	s4 =	sadd.s32 s20, s9  }
0x143: {  	s11 =	sadd.s32 s22, s4;
	[tilespmem:s19+$0x1020] =	vst v1  }
0x144: {  	v1 =	vld [tilespmem:s11+$0x0]  }
0x145: {  	s13 =	sadd.s32 s24, s2  }
0x146: {  	[tilespmem:s25+$0x4200] =	vst v2;
	v2 =	vld [tilespmem:s13+$0x0]  }
0x147: {  	s8 =	sadd.s32 s23, s0;
	s14 =	rddreg [dreg:$0x11];
	[tilespmem:s19+$0x800] =	vst v3  }
0x148: {  	s15 =	sadd.s32 s21, s0;
	v3 =	vld [tilespmem:s8+$0x0]  }
0x149: {  	[tilespmem:s19+$0x1420] =	vst v1;
	v1 =	vld [tilespmem:s15+$0x0];
	_ =	sdelay $0x1  }
0x14a: {  	s0 =	sadd.s32 s24, s0;
	s5 =	rddreg [dreg:$0x12];
	[tilespmem:s19+$0x810] =	vst v2  }
0x14b: {  	v2 =	vld [tilespmem:s0+$0x0]  }
0x14c: {  	s31 =	sadd.s32 s23, s1;
	[tilespmem:s19+$0xC00] =	vst v3  }
0x14d: {  	s30 =	sadd.s32 s21, s1;
	v3 =	vld [tilespmem:s31+$0x0];
	[tilespmem:s25+$0x4600] =	vst v1  }
0x14e: {  	v1 =	vld [tilespmem:s30+$0x0];
	_ =	sdelay $0x1  }
0x14f: {  	s1 =	sadd.s32 s24, s1;
	[tilespmem:s19+$0xC10] =	vst v2  }
0x150: {  	v2 =	vld [tilespmem:s1+$0x0]  }
0x151: {  	s9 =	sadd.s32 s23, s4;
	[tilespmem:s19+$0x1000] =	vst v3  }
0x152: {  	s8 =	sadd.s32 s21, s4;
	v3 =	vld [tilespmem:s9+$0x0];
	[tilespmem:s25+$0x4A00] =	vst v1  }
0x153: {  	v1 =	vld [tilespmem:s8+$0x0]  }
0x154: {  	v4 =	vld [tilespmem:s3+$0x0]  }
0x155: {  	v5 =	vld [tilespmem:s7+$0x0];
	s10 =	sadd.s32 s24, s4;
	s11 =	sadd.s32 s20, s14;
	[tilespmem:s19+$0x1010] =	vst v2  }
0x156: {  	[tilespmem:s18+$0x1800] =	vst v0;
	s13 =	sadd.s32 s22, s11;
	v2 =	vld [tilespmem:s10+$0x0]  }
0x157: {  	s14 =	sadd.s32 s23, s11;
	v0 =	vld [tilespmem:s13+$0x0];
	[tilespmem:s19+$0x1400] =	vst v3  }
0x158: {  	s2 =	sadd.s32 s21, s11;
	v3 =	vld [tilespmem:s14+$0x0];
	[tilespmem:s25+$0x4E00] =	vst v1  }
0x159: {  	[tilespmem:s18+$0x1810] =	vst v4;
	v1 =	vld [tilespmem:s2+$0x0]  }
0x15a: {  	v4 =	vld [tilespmem:s6+$0x0];
	[tilespmem:s17+$0x5600] =	vst v5  }
0x15b: {  	v5 =	vld [tilespmem:s12+$0x0];
	s15 =	sadd.s32 s24, s11;
	s17 =	sadd.s32 s20, s5;
	[tilespmem:s19+$0x1410] =	vst v2  }
0x15c: {  	s20 =	sadd.s32 s22, s17;
	[tilespmem:s19+$0x1820] =	vst v0;
	v2 =	vld [tilespmem:s15+$0x0]  }
0x15d: {  	s23 =	sadd.s32 s23, s17;
	v0 =	vld [tilespmem:s20+$0x0];
	[tilespmem:s19+$0x1800] =	vst v3  }
0x15e: {  	s22 =	sadd.s32 s21, s17;
	v3 =	vld [tilespmem:s23+$0x0];
	[tilespmem:s25+$0x5200] =	vst v1  }
0x15f: {  	[tilespmem:s18+$0x1C00] =	vst v4;
	v1 =	vld [tilespmem:s22+$0x0]  }
0x160: {  	[tilespmem:s16+$0x1C10] =	vst v5  }
0x161: {  	v4 =	vld [tilespmem:s26+$0x0];
	s24 =	sadd.s32 s24, s17;
	[tilespmem:s19+$0x1810] =	vst v2  }
0x162: {  	[tilespmem:s19+$0x1C20] =	vst v0;
	v2 =	vld [tilespmem:s24+$0x0]  }
0x163: {  	[tilespmem:s19+$0x1C00] =	vst v3  }
0x164: {  	[tilespmem:s25+$0x5600] =	vst v1  }
0x165: {  	s26 =	sld [smem:$0x7FB]  }
0x166: {  	s30 =	sld [smem:$0x7F7];
	[tilespmem:s18+$0x1C10] =	vst v4  }
0x167: {  	[tilespmem:s19+$0x1C10] =	vst v2  }
0x168: {  	s31 =	sld [smem:$0x7FA]  }
0x169: {  	s0 =	sadd.s32 s26, s30  }
0x16a: {  	s0 =	sshll.u32 s0, $0x7  }
0x16b: {  	s4 =	simm.s32 $0x1A00;
	s2 =	simm.s32 $0x0;
	s0 =	sadd.s32 s31, s0  }
0x16c: {  	[hbm4b:s0+s2] =	stream.linear.scatter [tilespmem:s4], [sflag:$0x1], $0x4000, $0x38;
	[tilespmem:$0x9A00] =	vst v63  }
0x16d: {  	s0 =	simm.s32 @!p0 $0x2  }
0x16e: {  	_ =	swait.ge @!p0 [sflag:s0], $0x4000  }
0x16f: {  	[sflag:s0] =	ssyncset.done @!p0 $0x0  }
0x170: {  	s5 =	sor.u32 $0x10, s30;
	[sflag:s0] =	ssyncadd.s32 @!p0 $0xFFFFC000  }
0x171: {  	v0 =	vld [tilespmem:s5+$0x0];
	_ =	sdelay $0x4  }
0x172: {  	v0 =	vshll.u32 v0, $0xC  }
0x173: {  	v0 =	vshra.s32 v0, $0x2  }
0x174: {  	(v2sf) =	vpush v0, $0x0  }
0x175: {  	(v2sf) =	vpush v0, $0x1  }
0x176: {  	(v2sf) =	vpush v0, $0x2;
	_ =	sdelay $0x1  }
0x177: {  	(v2sf) =	vpush v0, $0x3  }
0x178: {  	(v2sf) =	vpush v0, $0x4  }
0x179: {  	(v2sf) =	vpush v0, $0x5  }
0x17a: {  	(v2sf) =	vpush v0, $0x6  }
0x17b: {  	(v2sf) =	vpush v0, $0x7  }
0x17c: {  	(v2sf) =	vpush v0, $0x8  }
0x17d: {  	(v2sf) =	vpush v0, $0x9  }
0x17e: {  	(v2sf) =	vpush v0, $0xA  }
0x17f: {  	(v2sf) =	vpush v0, $0xB  }
0x180: {  	(v2sf) =	vpush v0, $0xC  }
0x181: {  	(v2sf) =	vpush v0, $0xD  }
0x182: {  	s6 =	spop (v2sf)  }
0x183: {  	[smem:$0x7EC] =	sst s5;
	(v2sf) =	vpush v0, $0xE;
	s7 =	spop (v2sf);
	s0 =	sor.u32 $0x200, s6  }
0x184: {  	(v2sf) =	vpush v0, $0xF;
	s8 =	spop (v2sf);
	[dreg:$0x13] =	wrdreg s0;
	s9 =	sor.u32 $0x200, s7  }
0x185: {  	[dreg:$0x14] =	wrdreg s9;
	s10 =	sor.u32 $0x200, s8  }
0x186: {  	s11 =	spop (v2sf);
	s8 =	rddreg [dreg:$0x13];
	s9 =	simm.s32 $0x0  }
0x187: {  	s12 =	spop (v2sf);
	[dreg:$0x15] =	wrdreg s10;
	s13 =	sor.u32 $0x200, s11  }
0x188: {  	s14 =	spop (v2sf);
	[dreg:$0x16] =	wrdreg s13;
	s15 =	sor.u32 $0x200, s12  }
0x189: {  	s16 =	spop (v2sf);
	[dreg:$0x17] =	wrdreg s15;
	s17 =	sor.u32 $0x200, s14  }
0x18a: {  	s18 =	spop (v2sf);
	[dreg:$0x18] =	wrdreg s17;
	s19 =	sor.u32 $0x200, s16  }
0x18b: {  	s20 =	spop (v2sf);
	[dreg:$0x19] =	wrdreg s19;
	s21 =	sor.u32 $0x200, s18  }
0x18c: {  	s22 =	spop (v2sf);
	[dreg:$0x1a] =	wrdreg s21;
	s23 =	sor.u32 $0x200, s20  }
0x18d: {  	s24 =	spop (v2sf);
	[dreg:$0x1b] =	wrdreg s23;
	s25 =	sor.u32 $0x200, s22  }
0x18e: {  	s26 =	spop (v2sf);
	[dreg:$0x1c] =	wrdreg s25;
	s30 =	sor.u32 $0x200, s24  }
0x18f: {  	s31 =	spop (v2sf);
	[dreg:$0x1d] =	wrdreg s30;
	s1 =	sor.u32 $0x200, s26  }
0x190: {  	s3 =	spop (v2sf);
	[dreg:$0x1e] =	wrdreg s1;
	s4 =	sor.u32 $0x200, s31  }
0x191: {  	s11 =	simm.s32 $0x30;
	[dreg:$0x1f] =	wrdreg s4;
	s5 =	sor.u32 $0x200, s3  }
0x192: {  	s3 =	sand.u32 $0x70, s11;
	s6 =	spop (v2sf);
	[smem:$0x7ED] =	sst s5  }
0x193: {  	s7 =	sor.u32 $0x200, s6;
	s10 =	spop (v2sf);
	s6 =	sand.u32 $0x380, s9  }
0x194: {  	[smem:$0x7EE] =	sst s7;
	s2 =	sor.u32 $0x200, s10;
	s1 =	sadd.s32 s6, s8  }
0x195: {  	s20 =	sand.u32 $0x40, s9;
	[smem:$0x7EF] =	sst s2;
	s12 =	sadd.s32 s3, s1  }
0x196: {  	s13 =	sadd.s32 s20, s1;
	v0 =	vld [tilespmem:s12+$0x0]  }
0x197: {  	s14 =	simm.s32 $0x10;
	v1 =	vld [tilespmem:s13+$0x0]  }
0x198: {  	s17 =	simm.s32 $0x20;
	s21 =	sand.u32 $0x50, s14  }
0x199: {  	s15 =	rddreg [dreg:$0x14];
	s26 =	sand.u32 $0x60, s17;
	s0 =	sadd.s32 s21, s1  }
0x19a: {  	s16 =	simm.s32 $0x7A10;
	s18 =	sadd.s32 s6, s15;
	s1 =	sadd.s32 s26, s1;
	v2 =	vld [tilespmem:s0+$0x0]  }
0x19b: {  	s19 =	sadd.s32 s3, s18;
	v3 =	vld [tilespmem:s1+$0x0];
	[tilespmem:s16+$0xFFFFE020] =	vst v0  }
0x19c: {  	s2 =	sadd.s32 s20, s18;
	[tilespmem:s16+$0xFFFFDFF0] =	vst v1;
	v0 =	vld [tilespmem:s19+$0x0]  }
0x19d: {  	v1 =	vld [tilespmem:s2+$0x0];
	_ =	sdelay $0x1  }
0x19e: {  	s23 =	sadd.s32 s21, s18;
	s22 =	rddreg [dreg:$0x15];
	[tilespmem:s16+$0xFFFFE000] =	vst v2  }
0x19f: {  	s0 =	sadd.s32 s26, s18;
	[tilespmem:s16+$0xFFFFE010] =	vst v3;
	v2 =	vld [tilespmem:s23+$0x0];
	s1 =	sadd.s32 s6, s22  }
0x1a0: {  	s25 =	sor.u32 s20, s6;
	v3 =	vld [tilespmem:s0+$0x0];
	s24 =	sadd.s32 s3, s1;
	[tilespmem:s16+$0xFFFFE420] =	vst v0  }
0x1a1: {  	s30 =	sadd.s32 s20, s1;
	[tilespmem:s25+$0x5E00] =	vst v1;
	v0 =	vld [tilespmem:s24+$0x0]  }
0x1a2: {  	v1 =	vld [tilespmem:s30+$0x0];
	_ =	sdelay $0x1  }
0x1a3: {  	s4 =	sadd.s32 s21, s1;
	s31 =	rddreg [dreg:$0x16];
	[tilespmem:s16+$0xFFFFE400] =	vst v2  }
0x1a4: {  	s1 =	sadd.s32 s26, s1;
	[tilespmem:s16+$0xFFFFE410] =	vst v3;
	v2 =	vld [tilespmem:s4+$0x0];
	s0 =	sadd.s32 s6, s31  }
0x1a5: {  	v3 =	vld [tilespmem:s1+$0x0];
	s5 =	sadd.s32 s3, s0;
	[tilespmem:s16+$0xFFFFE820] =	vst v0  }
0x1a6: {  	s7 =	sadd.s32 s20, s0;
	[tilespmem:s25+$0x6200] =	vst v1;
	v0 =	vld [tilespmem:s5+$0x0]  }
0x1a7: {  	v1 =	vld [tilespmem:s7+$0x0];
	_ =	sdelay $0x1  }
0x1a8: {  	s9 =	sadd.s32 s21, s0;
	s8 =	rddreg [dreg:$0x17];
	[tilespmem:s16+$0xFFFFE800] =	vst v2  }
0x1a9: {  	s0 =	sadd.s32 s26, s0;
	[tilespmem:s16+$0xFFFFE810] =	vst v3;
	v2 =	vld [tilespmem:s9+$0x0];
	s1 =	sadd.s32 s6, s8  }
0x1aa: {  	v3 =	vld [tilespmem:s0+$0x0];
	s10 =	sadd.s32 s3, s1;
	[tilespmem:s16+$0xFFFFEC20] =	vst v0  }
0x1ab: {  	s11 =	sadd.s32 s20, s1;
	[tilespmem:s25+$0x6600] =	vst v1;
	v0 =	vld [tilespmem:s10+$0x0]  }
0x1ac: {  	v1 =	vld [tilespmem:s11+$0x0];
	_ =	sdelay $0x1  }
0x1ad: {  	s13 =	sadd.s32 s21, s1;
	s12 =	rddreg [dreg:$0x18];
	[tilespmem:s16+$0xFFFFEC00] =	vst v2  }
0x1ae: {  	s1 =	sadd.s32 s26, s1;
	[tilespmem:s16+$0xFFFFEC10] =	vst v3;
	v2 =	vld [tilespmem:s13+$0x0];
	s0 =	sadd.s32 s6, s12  }
0x1af: {  	v3 =	vld [tilespmem:s1+$0x0];
	s14 =	sadd.s32 s3, s0;
	[tilespmem:s16+$0xFFFFF020] =	vst v0  }
0x1b0: {  	s15 =	sadd.s32 s20, s0;
	[tilespmem:s25+$0x6A00] =	vst v1;
	v0 =	vld [tilespmem:s14+$0x0]  }
0x1b1: {  	v1 =	vld [tilespmem:s15+$0x0];
	_ =	sdelay $0x1  }
0x1b2: {  	s18 =	sadd.s32 s21, s0;
	s17 =	rddreg [dreg:$0x19];
	[tilespmem:s16+$0xFFFFF000] =	vst v2  }
0x1b3: {  	s0 =	sadd.s32 s26, s0;
	[tilespmem:s16+$0xFFFFF010] =	vst v3;
	v2 =	vld [tilespmem:s18+$0x0];
	s1 =	sadd.s32 s6, s17  }
0x1b4: {  	v3 =	vld [tilespmem:s0+$0x0];
	s19 =	sadd.s32 s3, s1;
	[tilespmem:s16+$0xFFFFF420] =	vst v0  }
0x1b5: {  	s22 =	sadd.s32 s20, s1;
	[tilespmem:s25+$0x6E00] =	vst v1;
	v0 =	vld [tilespmem:s19+$0x0]  }
0x1b6: {  	v1 =	vld [tilespmem:s22+$0x0];
	_ =	sdelay $0x1  }
0x1b7: {  	s24 =	sadd.s32 s21, s1;
	s23 =	rddreg [dreg:$0x1a];
	[tilespmem:s16+$0xFFFFF400] =	vst v2  }
0x1b8: {  	s1 =	sadd.s32 s26, s1;
	[tilespmem:s16+$0xFFFFF410] =	vst v3;
	v2 =	vld [tilespmem:s24+$0x0];
	s0 =	sadd.s32 s6, s23  }
0x1b9: {  	v3 =	vld [tilespmem:s1+$0x0];
	s30 =	sadd.s32 s3, s0;
	[tilespmem:s16+$0xFFFFF820] =	vst v0  }
0x1ba: {  	s31 =	sadd.s32 s20, s0;
	[tilespmem:s25+$0x7200] =	vst v1;
	v0 =	vld [tilespmem:s30+$0x0]  }
0x1bb: {  	v1 =	vld [tilespmem:s31+$0x0];
	_ =	sdelay $0x1  }
0x1bc: {  	s5 =	sadd.s32 s21, s0;
	s4 =	rddreg [dreg:$0x1b];
	[tilespmem:s16+$0xFFFFF800] =	vst v2  }
0x1bd: {  	s0 =	sadd.s32 s26, s0;
	[tilespmem:s16+$0xFFFFF810] =	vst v3;
	v2 =	vld [tilespmem:s5+$0x0];
	s1 =	sadd.s32 s6, s4  }
0x1be: {  	v3 =	vld [tilespmem:s0+$0x0];
	s7 =	sadd.s32 s3, s1;
	[tilespmem:s16+$0xFFFFFC20] =	vst v0  }
0x1bf: {  	s8 =	sadd.s32 s20, s1;
	[tilespmem:s25+$0x7600] =	vst v1;
	v0 =	vld [tilespmem:s7+$0x0]  }
0x1c0: {  	v1 =	vld [tilespmem:s8+$0x0];
	_ =	sdelay $0x1  }
0x1c1: {  	s10 =	sadd.s32 s21, s1;
	s9 =	rddreg [dreg:$0x1c];
	[tilespmem:s16+$0xFFFFFC00] =	vst v2  }
0x1c2: {  	s1 =	sadd.s32 s26, s1;
	[tilespmem:s16+$0xFFFFFC10] =	vst v3;
	v2 =	vld [tilespmem:s10+$0x0];
	s0 =	sadd.s32 s6, s9  }
0x1c3: {  	v3 =	vld [tilespmem:s1+$0x0];
	s11 =	sadd.s32 s3, s0;
	[tilespmem:s16+$0x20] =	vst v0  }
0x1c4: {  	s12 =	sadd.s32 s20, s0;
	[tilespmem:s25+$0x7A00] =	vst v1;
	v0 =	vld [tilespmem:s11+$0x0]  }
0x1c5: {  	v1 =	vld [tilespmem:s12+$0x0];
	_ =	sdelay $0x1  }
0x1c6: {  	s13 =	rddreg [dreg:$0x1d];
	[tilespmem:s16+$0x0] =	vst v2  }
0x1c7: {  	s14 =	sadd.s32 s21, s0;
	[tilespmem:s16+$0x10] =	vst v3  }
0x1c8: {  	s0 =	sadd.s32 s26, s0;
	s2 =	sadd.s32 s6, s13;
	v2 =	vld [tilespmem:s14+$0x0];
	[tilespmem:s16+$0x420] =	vst v0  }
0x1c9: {  	s17 =	simm.s32 $0x40;
	s1 =	sadd.s32 s3, s2;
	[tilespmem:s25+$0x7E00] =	vst v1;
	v1 =	vld [tilespmem:s0+$0x0]  }
0x1ca: {  	s15 =	rddreg [dreg:$0x13];
	s18 =	simm.s32 $0x70;
	v0 =	vld [tilespmem:s1+$0x0];
	s1 =	sand.u32 $0x380, s17  }
0x1cb: {  	s0 =	sand.u32 $0x70, s18;
	s5 =	sadd.s32 s1, s15  }
0x1cc: {  	s29 =	sand.u32 $0x40, s17;
	s9 =	simm.s32 $0x50;
	s22 =	sadd.s32 s0, s5  }
0x1cd: {  	s23 =	simm.s32 $0x60;
	s31 =	sand.u32 $0x50, s9;
	s10 =	sadd.s32 s29, s5;
	v3 =	vld [tilespmem:s22+$0x0]  }
0x1ce: {  	s30 =	sand.u32 $0x60, s23;
	s19 =	rddreg [dreg:$0x1e];
	[tilespmem:s16+$0x400] =	vst v2;
	s9 =	sadd.s32 s31, s5;
	v2 =	vld [tilespmem:s10+$0x0]  }
0x1cf: {  	s7 =	sadd.s32 s6, s19;
	s5 =	sadd.s32 s30, s5;
	[tilespmem:s16+$0x410] =	vst v1;
	v1 =	vld [tilespmem:s9+$0x0]  }
0x1d0: {  	s24 =	rddreg [dreg:$0x14];
	s10 =	sadd.s32 s3, s7;
	v4 =	vld [tilespmem:s5+$0x0];
	[tilespmem:s16+$0x820] =	vst v0  }
0x1d1: {  	s14 =	sadd.s32 s20, s2;
	s18 =	simm.s32 $0x7A50;
	s8 =	sadd.s32 s1, s24;
	v0 =	vld [tilespmem:s10+$0x0]  }
0x1d2: {  	v5 =	vld [tilespmem:s14+$0x0];
	s12 =	sadd.s32 s0, s8;
	[tilespmem:s18+$0xFFFFE020] =	vst v3  }
0x1d3: {  	s13 =	sadd.s32 s29, s8;
	s11 =	rddreg [dreg:$0x1f];
	[tilespmem:s18+$0xFFFFDFF0] =	vst v2;
	v2 =	vld [tilespmem:s12+$0x0]  }
0x1d4: {  	s19 =	sadd.s32 s31, s8;
	v3 =	vld [tilespmem:s13+$0x0];
	s15 =	rddreg [dreg:$0x15];
	[tilespmem:s18+$0xFFFFE000] =	vst v1  }
0x1d5: {  	s8 =	sadd.s32 s30, s8;
	s5 =	sadd.s32 s6, s11;
	[tilespmem:s18+$0xFFFFE010] =	vst v4;
	v1 =	vld [tilespmem:s19+$0x0]  }
0x1d6: {  	s17 =	sadd.s32 s3, s5;
	v4 =	vld [tilespmem:s8+$0x0];
	[tilespmem:s16+$0xC20] =	vst v0  }
0x1d7: {  	s11 =	sadd.s32 s21, s2;
	s23 =	sadd.s32 s1, s15;
	v0 =	vld [tilespmem:s17+$0x0];
	s22 =	sld [smem:$0x7ED];
	[tilespmem:s25+$0x8200] =	vst v5  }
0x1d8: {  	s4 =	sadd.s32 s0, s23;
	s17 =	sor.u32 s29, s1;
	v5 =	vld [tilespmem:s11+$0x0];
	[tilespmem:s18+$0xFFFFE420] =	vst v2  }
0x1d9: {  	s24 =	sadd.s32 s29, s23;
	[tilespmem:s17+$0x5E00] =	vst v3;
	v2 =	vld [tilespmem:s4+$0x0]  }
0x1da: {  	s13 =	sadd.s32 s31, s23;
	v3 =	vld [tilespmem:s24+$0x0];
	s12 =	rddreg [dreg:$0x16];
	[tilespmem:s18+$0xFFFFE400] =	vst v1  }
0x1db: {  	s14 =	sadd.s32 s30, s23;
	s4 =	sadd.s32 s6, s22;
	[tilespmem:s18+$0xFFFFE410] =	vst v4;
	v1 =	vld [tilespmem:s13+$0x0]  }
0x1dc: {  	s9 =	sadd.s32 s3, s4;
	v4 =	vld [tilespmem:s14+$0x0];
	[tilespmem:s16+$0x1020] =	vst v0  }
0x1dd: {  	s23 =	sadd.s32 s26, s2;
	s8 =	sadd.s32 s1, s12;
	v0 =	vld [tilespmem:s9+$0x0];
	s15 =	sld [smem:$0x7EE];
	[tilespmem:s16+$0x800] =	vst v5  }
0x1de: {  	s19 =	sadd.s32 s0, s8;
	v5 =	vld [tilespmem:s23+$0x0];
	[tilespmem:s18+$0xFFFFE820] =	vst v2  }
0x1df: {  	s22 =	sadd.s32 s29, s8;
	[tilespmem:s17+$0x6200] =	vst v3;
	v2 =	vld [tilespmem:s19+$0x0]  }
0x1e0: {  	s12 =	sadd.s32 s31, s8;
	v3 =	vld [tilespmem:s22+$0x0];
	s24 =	rddreg [dreg:$0x17];
	[tilespmem:s18+$0xFFFFE800] =	vst v1  }
0x1e1: {  	s8 =	sadd.s32 s30, s8;
	s2 =	sadd.s32 s6, s15;
	[tilespmem:s18+$0xFFFFE810] =	vst v4;
	v1 =	vld [tilespmem:s12+$0x0]  }
0x1e2: {  	s11 =	sadd.s32 s3, s2;
	v4 =	vld [tilespmem:s8+$0x0];
	[tilespmem:s16+$0x1420] =	vst v0  }
0x1e3: {  	s19 =	sadd.s32 s20, s7;
	s10 =	sadd.s32 s1, s24;
	v0 =	vld [tilespmem:s11+$0x0];
	s13 =	sld [smem:$0x7EF];
	[tilespmem:s16+$0x810] =	vst v5  }
0x1e4: {  	s14 =	sadd.s32 s0, s10;
	v5 =	vld [tilespmem:s19+$0x0];
	[tilespmem:s18+$0xFFFFEC20] =	vst v2  }
0x1e5: {  	s15 =	sadd.s32 s29, s10;
	[tilespmem:s17+$0x6600] =	vst v3;
	v2 =	vld [tilespmem:s14+$0x0]  }
0x1e6: {  	s23 =	sadd.s32 s31, s10;
	v3 =	vld [tilespmem:s15+$0x0];
	s22 =	rddreg [dreg:$0x18];
	[tilespmem:s18+$0xFFFFEC00] =	vst v1  }
0x1e7: {  	s24 =	sadd.s32 s30, s10;
	s8 =	sadd.s32 s6, s13;
	[tilespmem:s18+$0xFFFFEC10] =	vst v4;
	v1 =	vld [tilespmem:s23+$0x0]  }
0x1e8: {  	s3 =	sadd.s32 s3, s8;
	v4 =	vld [tilespmem:s24+$0x0];
	[tilespmem:s16+$0x1820] =	vst v0  }
0x1e9: {  	s12 =	sadd.s32 s21, s7;
	s6 =	sadd.s32 s1, s22;
	[tilespmem:s25+$0x8600] =	vst v5;
	v0 =	vld [tilespmem:s3+$0x0]  }
0x1ea: {  	s10 =	sadd.s32 s0, s6;
	v5 =	vld [tilespmem:s12+$0x0];
	[tilespmem:s18+$0xFFFFF020] =	vst v2  }
0x1eb: {  	s11 =	sadd.s32 s29, s6;
	[tilespmem:s17+$0x6A00] =	vst v3;
	v2 =	vld [tilespmem:s10+$0x0]  }
0x1ec: {  	s14 =	sadd.s32 s31, s6;
	v3 =	vld [tilespmem:s11+$0x0];
	s13 =	rddreg [dreg:$0x19];
	[tilespmem:s18+$0xFFFFF000] =	vst v1  }
0x1ed: {  	s7 =	sadd.s32 s26, s7;
	[tilespmem:s18+$0xFFFFF010] =	vst v4;
	v1 =	vld [tilespmem:s14+$0x0]  }
0x1ee: {  	s6 =	sadd.s32 s30, s6;
	[tilespmem:s16+$0x1C20] =	vst v0;
	v0 =	vld [tilespmem:s7+$0x0]  }
0x1ef: {  	s23 =	sadd.s32 s20, s5;
	s15 =	sadd.s32 s1, s13;
	v4 =	vld [tilespmem:s6+$0x0];
	[tilespmem:s16+$0xC00] =	vst v5  }
0x1f0: {  	v5 =	vld [tilespmem:s23+$0x0];
	s19 =	sadd.s32 s0, s15;
	[tilespmem:s18+$0xFFFFF420] =	vst v2  }
0x1f1: {  	s22 =	sadd.s32 s29, s15;
	[tilespmem:s17+$0x6E00] =	vst v3;
	v2 =	vld [tilespmem:s19+$0x0]  }
0x1f2: {  	s10 =	sadd.s32 s21, s5;
	v3 =	vld [tilespmem:s22+$0x0];
	s24 =	rddreg [dreg:$0x1a];
	[tilespmem:s18+$0xFFFFF400] =	vst v1  }
0x1f3: {  	s11 =	sadd.s32 s31, s15;
	[tilespmem:s16+$0xC10] =	vst v0;
	v0 =	vld [tilespmem:s10+$0x0]  }
0x1f4: {  	s3 =	sadd.s32 s30, s15;
	[tilespmem:s18+$0xFFFFF410] =	vst v4;
	v1 =	vld [tilespmem:s11+$0x0]  }
0x1f5: {  	s14 =	sadd.s32 s26, s5;
	[tilespmem:s25+$0x8A00] =	vst v5;
	s12 =	sadd.s32 s1, s24;
	v4 =	vld [tilespmem:s3+$0x0]  }
0x1f6: {  	s13 =	sadd.s32 s0, s12;
	v5 =	vld [tilespmem:s14+$0x0];
	[tilespmem:s18+$0xFFFFF820] =	vst v2  }
0x1f7: {  	s19 =	sadd.s32 s20, s4;
	[tilespmem:s17+$0x7200] =	vst v3;
	v2 =	vld [tilespmem:s13+$0x0]  }
0x1f8: {  	s7 =	sadd.s32 s29, s12;
	[tilespmem:s16+$0x1000] =	vst v0;
	v0 =	vld [tilespmem:s19+$0x0]  }
0x1f9: {  	s22 =	sadd.s32 s31, s12;
	v3 =	vld [tilespmem:s7+$0x0];
	s15 =	rddreg [dreg:$0x1b];
	[tilespmem:s18+$0xFFFFF800] =	vst v1  }
0x1fa: {  	s6 =	sadd.s32 s30, s12;
	[tilespmem:s18+$0xFFFFF810] =	vst v4;
	v1 =	vld [tilespmem:s22+$0x0]  }
0x1fb: {  	s7 =	sadd.s32 s21, s4;
	v4 =	vld [tilespmem:s6+$0x0];
	[tilespmem:s16+$0x1010] =	vst v5  }
0x1fc: {  	s4 =	sadd.s32 s26, s4;
	s23 =	sadd.s32 s1, s15;
	v5 =	vld [tilespmem:s7+$0x0];
	[tilespmem:s18+$0xFFFFFC20] =	vst v2  }
0x1fd: {  	s5 =	sadd.s32 s0, s23;
	[tilespmem:s25+$0x8E00] =	vst v0;
	v0 =	vld [tilespmem:s4+$0x0]  }
0x1fe: {  	s24 =	sadd.s32 s29, s23;
	[tilespmem:s17+$0x7600] =	vst v3;
	v2 =	vld [tilespmem:s5+$0x0]  }
0x1ff: {  	v3 =	vld [tilespmem:s24+$0x0];
	s9 =	rddreg [dreg:$0x1c];
	[tilespmem:s18+$0xFFFFFC00] =	vst v1  }
0x200: {  	s10 =	sadd.s32 s31, s23;
	[tilespmem:s18+$0xFFFFFC10] =	vst v4  }
0x201: {  	s3 =	sadd.s32 s30, s23;
	[tilespmem:s16+$0x1400] =	vst v5;
	v1 =	vld [tilespmem:s10+$0x0]  }
0x202: {  	s19 =	sadd.s32 s21, s2;
	s11 =	sadd.s32 s1, s9;
	v4 =	vld [tilespmem:s3+$0x0];
	[tilespmem:s16+$0x1410] =	vst v0  }
0x203: {  	s12 =	sadd.s32 s0, s11;
	v0 =	vld [tilespmem:s19+$0x0];
	[tilespmem:s18+$0x20] =	vst v2  }
0x204: {  	s13 =	sadd.s32 s29, s11;
	[tilespmem:s17+$0x7A00] =	vst v3;
	v2 =	vld [tilespmem:s12+$0x0]  }
0x205: {  	s14 =	sadd.s32 s20, s2;
	v3 =	vld [tilespmem:s13+$0x0]  }
0x206: {  	v5 =	vld [tilespmem:s14+$0x0];
	s22 =	sadd.s32 s31, s11;
	s15 =	rddreg [dreg:$0x1d];
	[tilespmem:s18+$0x0] =	vst v1  }
0x207: {  	s23 =	sadd.s32 s30, s11;
	[tilespmem:s18+$0x10] =	vst v4;
	v1 =	vld [tilespmem:s22+$0x0]  }
0x208: {  	s2 =	sadd.s32 s26, s2;
	s7 =	sadd.s32 s20, s8;
	s12 =	sadd.s32 s21, s8;
	v4 =	vld [tilespmem:s23+$0x0];
	[tilespmem:s16+$0x1800] =	vst v0  }
0x209: {  	s24 =	rddreg [dreg:$0x13];
	s9 =	simm.s32 $0x80;
	s4 =	sadd.s32 s1, s15;
	v0 =	vld [tilespmem:s12+$0x0];
	[tilespmem:s18+$0x420] =	vst v2  }
0x20a: {  	s10 =	simm.s32 $0xB0;
	s20 =	sand.u32 $0x380, s9;
	s5 =	sadd.s32 s0, s4;
	[tilespmem:s17+$0x7E00] =	vst v3;
	v3 =	vld [tilespmem:s2+$0x0]  }
0x20b: {  	s3 =	sadd.s32 s20, s24;
	[tilespmem:s25+$0x9200] =	vst v5;
	s21 =	sand.u32 $0x70, s10;
	s13 =	simm.s32 $0x90;
	v2 =	vld [tilespmem:s5+$0x0]  }
0x20c: {  	v5 =	vld [tilespmem:s7+$0x0];
	s23 =	sand.u32 $0x40, s9;
	s11 =	rddreg [dreg:$0x1e];
	[tilespmem:s18+$0x400] =	vst v1;
	s5 =	sadd.s32 s21, s3  }
0x20d: {  	s14 =	simm.s32 $0xA0;
	s22 =	sand.u32 $0x50, s13;
	s15 =	sadd.s32 s23, s3;
	[tilespmem:s18+$0x410] =	vst v4;
	v1 =	vld [tilespmem:s5+$0x0]  }
0x20e: {  	s24 =	sand.u32 $0x60, s14;
	s10 =	sadd.s32 s22, s3;
	v4 =	vld [tilespmem:s15+$0x0];
	[tilespmem:s16+$0x1C00] =	vst v0  }
0x20f: {  	s3 =	sadd.s32 s24, s3;
	s5 =	sadd.s32 s1, s11;
	[tilespmem:s16+$0x1810] =	vst v3;
	v3 =	vld [tilespmem:s10+$0x0]  }
0x210: {  	s19 =	rddreg [dreg:$0x14];
	s9 =	sadd.s32 s0, s5;
	v0 =	vld [tilespmem:s3+$0x0];
	[tilespmem:s18+$0x820] =	vst v2  }
0x211: {  	s28 =	simm.s32 $0x7A90;
	s12 =	sadd.s32 s29, s4;
	[tilespmem:s25+$0x9600] =	vst v5;
	s2 =	sadd.s32 s20, s19;
	v2 =	vld [tilespmem:s9+$0x0]  }
0x212: {  	s13 =	sadd.s32 s21, s2;
	[tilespmem:s28+$0xFFFFE020] =	vst v1;
	v1 =	vld [tilespmem:s12+$0x0]  }
0x213: {  	s14 =	sadd.s32 s23, s2;
	[tilespmem:s28+$0xFFFFDFF0] =	vst v4;
	s11 =	rddreg [dreg:$0x1f];
	v4 =	vld [tilespmem:s13+$0x0]  }
0x214: {  	s25 =	sadd.s32 s22, s2;
	v5 =	vld [tilespmem:s14+$0x0];
	s15 =	rddreg [dreg:$0x15];
	[tilespmem:s28+$0xFFFFE000] =	vst v3  }
0x215: {  	s2 =	sadd.s32 s24, s2;
	s3 =	sadd.s32 s1, s11;
	[tilespmem:s28+$0xFFFFE010] =	vst v0;
	v3 =	vld [tilespmem:s25+$0x0]  }
0x216: {  	s19 =	sadd.s32 s0, s3;
	v0 =	vld [tilespmem:s2+$0x0];
	[tilespmem:s18+$0xC20] =	vst v2  }
0x217: {  	s11 =	sadd.s32 s31, s4;
	s6 =	sadd.s32 s20, s15;
	v2 =	vld [tilespmem:s19+$0x0];
	s10 =	sld [smem:$0x7ED];
	[tilespmem:s17+$0x8200] =	vst v1  }
0x218: {  	s12 =	sadd.s32 s21, s6;
	s25 =	sor.u32 s23, s20;
	[tilespmem:s28+$0xFFFFE420] =	vst v4;
	v1 =	vld [tilespmem:s11+$0x0]  }
0x219: {  	s13 =	sadd.s32 s23, s6;
	[tilespmem:s25+$0x5E00] =	vst v5;
	v4 =	vld [tilespmem:s12+$0x0]  }
0x21a: {  	v5 =	vld [tilespmem:s13+$0x0];
	s19 =	sadd.s32 s22, s6;
	s14 =	rddreg [dreg:$0x16];
	[tilespmem:s28+$0xFFFFE400] =	vst v3  }
0x21b: {  	s6 =	sadd.s32 s24, s6;
	[tilespmem:s28+$0xFFFFE410] =	vst v0;
	s2 =	sadd.s32 s1, s10;
	v3 =	vld [tilespmem:s19+$0x0]  }
0x21c: {  	v0 =	vld [tilespmem:s6+$0x0];
	s15 =	sadd.s32 s0, s2;
	[tilespmem:s18+$0x1020] =	vst v2  }
0x21d: {  	s4 =	sadd.s32 s30, s4;
	s7 =	sadd.s32 s20, s14;
	v2 =	vld [tilespmem:s15+$0x0];
	s10 =	sld [smem:$0x7EE];
	[tilespmem:s18+$0x800] =	vst v1  }
0x21e: {  	s11 =	sadd.s32 s21, s7;
	[tilespmem:s28+$0xFFFFE820] =	vst v4;
	v1 =	vld [tilespmem:s4+$0x0]  }
0x21f: {  	s12 =	sadd.s32 s23, s7;
	[tilespmem:s25+$0x6200] =	vst v5;
	v4 =	vld [tilespmem:s11+$0x0]  }
0x220: {  	s14 =	sadd.s32 s22, s7;
	v5 =	vld [tilespmem:s12+$0x0];
	s13 =	rddreg [dreg:$0x17];
	[tilespmem:s28+$0xFFFFE800] =	vst v3  }
0x221: {  	s7 =	sadd.s32 s24, s7;
	[tilespmem:s28+$0xFFFFE810] =	vst v0;
	s4 =	sadd.s32 s1, s10;
	v3 =	vld [tilespmem:s14+$0x0]  }
0x222: {  	v0 =	vld [tilespmem:s7+$0x0];
	s9 =	sadd.s32 s0, s4;
	[tilespmem:s18+$0x1420] =	vst v2  }
0x223: {  	s19 =	sadd.s32 s29, s5;
	s6 =	sadd.s32 s20, s13;
	v2 =	vld [tilespmem:s9+$0x0];
	s15 =	sld [smem:$0x7EF];
	[tilespmem:s18+$0x810] =	vst v1  }
0x224: {  	s10 =	sadd.s32 s21, s6;
	[tilespmem:s28+$0xFFFFEC20] =	vst v4;
	v1 =	vld [tilespmem:s19+$0x0]  }
0x225: {  	s11 =	sadd.s32 s23, s6;
	[tilespmem:s25+$0x6600] =	vst v5;
	v4 =	vld [tilespmem:s10+$0x0]  }
0x226: {  	s13 =	sadd.s32 s22, s6;
	v5 =	vld [tilespmem:s11+$0x0];
	s12 =	rddreg [dreg:$0x18];
	[tilespmem:s28+$0xFFFFEC00] =	vst v3  }
0x227: {  	s14 =	sadd.s32 s24, s6;
	[tilespmem:s28+$0xFFFFEC10] =	vst v0;
	s1 =	sadd.s32 s1, s15;
	v3 =	vld [tilespmem:s13+$0x0]  }
0x228: {  	v0 =	vld [tilespmem:s14+$0x0];
	s0 =	sadd.s32 s0, s1;
	[tilespmem:s18+$0x1820] =	vst v2  }
0x229: {  	s19 =	sadd.s32 s20, s12;
	s15 =	sadd.s32 s31, s5;
	[tilespmem:s17+$0x8600] =	vst v1;
	v2 =	vld [tilespmem:s0+$0x0]  }
0x22a: {  	s7 =	sadd.s32 s21, s19;
	v1 =	vld [tilespmem:s15+$0x0];
	[tilespmem:s28+$0xFFFFF020] =	vst v4  }
0x22b: {  	s9 =	sadd.s32 s23, s19;
	[tilespmem:s25+$0x6A00] =	vst v5;
	v4 =	vld [tilespmem:s7+$0x0]  }
0x22c: {  	s11 =	sadd.s32 s22, s19;
	v5 =	vld [tilespmem:s9+$0x0];
	s10 =	rddreg [dreg:$0x19];
	[tilespmem:s28+$0xFFFFF000] =	vst v3  }
0x22d: {  	s5 =	sadd.s32 s30, s5;
	[tilespmem:s28+$0xFFFFF010] =	vst v0;
	v3 =	vld [tilespmem:s11+$0x0]  }
0x22e: {  	s6 =	sadd.s32 s24, s19;
	[tilespmem:s18+$0x1C20] =	vst v2;
	v2 =	vld [tilespmem:s5+$0x0]  }
0x22f: {  	s12 =	sadd.s32 s29, s3;
	s0 =	sadd.s32 s20, s10;
	v0 =	vld [tilespmem:s6+$0x0];
	[tilespmem:s18+$0xC00] =	vst v1  }
0x230: {  	s13 =	sadd.s32 s21, s0;
	v1 =	vld [tilespmem:s12+$0x0];
	[tilespmem:s28+$0xFFFFF420] =	vst v4  }
0x231: {  	s14 =	sadd.s32 s23, s0;
	[tilespmem:s25+$0x6E00] =	vst v5;
	v4 =	vld [tilespmem:s13+$0x0]  }
0x232: {  	s15 =	sadd.s32 s31, s3;
	v5 =	vld [tilespmem:s14+$0x0];
	s19 =	rddreg [dreg:$0x1a];
	[tilespmem:s28+$0xFFFFF400] =	vst v3  }
0x233: {  	s7 =	sadd.s32 s22, s0;
	[tilespmem:s18+$0xC10] =	vst v2;
	v2 =	vld [tilespmem:s15+$0x0]  }
0x234: {  	s0 =	sadd.s32 s24, s0;
	[tilespmem:s28+$0xFFFFF410] =	vst v0;
	v3 =	vld [tilespmem:s7+$0x0]  }
0x235: {  	s3 =	sadd.s32 s30, s3;
	s5 =	sadd.s32 s20, s19;
	v0 =	vld [tilespmem:s0+$0x0];
	[tilespmem:s17+$0x8A00] =	vst v1  }
0x236: {  	s9 =	sadd.s32 s21, s5;
	v1 =	vld [tilespmem:s3+$0x0];
	[tilespmem:s28+$0xFFFFF820] =	vst v4  }
0x237: {  	s10 =	sadd.s32 s23, s5;
	[tilespmem:s25+$0x7200] =	vst v5;
	v4 =	vld [tilespmem:s9+$0x0]  }
0x238: {  	s11 =	sadd.s32 s29, s2;
	v5 =	vld [tilespmem:s10+$0x0];
	[tilespmem:s18+$0x1000] =	vst v2  }
0x239: {  	s13 =	sadd.s32 s22, s5;
	s12 =	rddreg [dreg:$0x1b];
	v2 =	vld [tilespmem:s11+$0x0];
	[tilespmem:s28+$0xFFFFF800] =	vst v3  }
0x23a: {  	s14 =	sadd.s32 s24, s5;
	[tilespmem:s28+$0xFFFFF810] =	vst v0;
	v3 =	vld [tilespmem:s13+$0x0]  }
0x23b: {  	s15 =	sadd.s32 s31, s2;
	s3 =	sadd.s32 s20, s12;
	v0 =	vld [tilespmem:s14+$0x0];
	[tilespmem:s18+$0x1010] =	vst v1  }
0x23c: {  	s19 =	sadd.s32 s21, s3;
	v1 =	vld [tilespmem:s15+$0x0];
	[tilespmem:s28+$0xFFFFFC20] =	vst v4  }
0x23d: {  	s5 =	sadd.s32 s23, s3;
	[tilespmem:s25+$0x7600] =	vst v5;
	v4 =	vld [tilespmem:s19+$0x0]  }
0x23e: {  	s2 =	sadd.s32 s30, s2;
	v5 =	vld [tilespmem:s5+$0x0];
	[tilespmem:s17+$0x8E00] =	vst v2  }
0x23f: {  	s7 =	sadd.s32 s22, s3;
	s6 =	rddreg [dreg:$0x1c];
	v2 =	vld [tilespmem:s2+$0x0];
	[tilespmem:s28+$0xFFFFFC00] =	vst v3  }
0x240: {  	s9 =	sadd.s32 s24, s3;
	[tilespmem:s28+$0xFFFFFC10] =	vst v0;
	v3 =	vld [tilespmem:s7+$0x0]  }
0x241: {  	s10 =	sadd.s32 s29, s4;
	s0 =	sadd.s32 s20, s6;
	v6 =	vld [tilespmem:s9+$0x0];
	[tilespmem:s18+$0x1400] =	vst v1  }
0x242: {  	v7 =	vld [tilespmem:s10+$0x0];
	s11 =	sadd.s32 s21, s0;
	[tilespmem:s28+$0x20] =	vst v4  }
0x243: {  	s12 =	sadd.s32 s26, s8;
	s13 =	sadd.s32 s23, s0;
	[tilespmem:s25+$0x7A00] =	vst v5;
	v4 =	vld [tilespmem:s11+$0x0]  }
0x244: {  	s8 =	simm.s32 $0xF0;
	s14 =	sadd.s32 s31, s4;
	s19 =	sadd.s32 s30, s1;
	v1 =	vld [tilespmem:s13+$0x0];
	[tilespmem:s18+$0x1410] =	vst v2  }
0x245: {  	s6 =	sadd.s32 s30, s4;
	s26 =	sadd.s32 s22, s0;
	v0 =	vld [tilespmem:s14+$0x0];
	s15 =	rddreg [dreg:$0x1d];
	[tilespmem:s28+$0x0] =	vst v3  }
0x246: {  	s7 =	sadd.s32 s29, s1;
	s29 =	sadd.s32 s31, s1;
	s31 =	sadd.s32 s24, s0;
	[tilespmem:s28+$0x10] =	vst v6;
	v3 =	vld [tilespmem:s26+$0x0]  }
0x247: {  	s1 =	simm.s32 $0x8;
	s0 =	sadd.s32 s20, s15;
	[tilespmem:s17+$0x9200] =	vst v7;
	v2 =	vld [tilespmem:s31+$0x0];
	s26 =	simm.s32 $0x7A90  }
.LBB2_5:
0x248: {  	[tilespmem:s28+$0x420] =	vst v4  }
0x249: {  	s4 =	sadd.s32 s21, s0;
	s5 =	sadd.s32 $0xFFFFFFD0, s8;
	v4 =	vld [tilespmem:s6+$0x0];
	[tilespmem:s25+$0x7E00] =	vst v1  }
0x24a: {  	s2 =	rddreg [dreg:$0x13];
	s11 =	sand.u32 $0x380, s5;
	[tilespmem:s18+$0x1800] =	vst v0;
	v1 =	vld [tilespmem:s4+$0x0]  }
0x24b: {  	s30 =	sadd.s32 $0xFFFFFFE0, s8;
	s31 =	sand.u32 $0x70, s8;
	s2 =	sadd.s32 s11, s2;
	[tilespmem:s28+$0x400] =	vst v3;
	v5 =	vld [tilespmem:s7+$0x0]  }
0x24c: {  	s3 =	sadd.s32 $0xFFFFFFF0, s8;
	s10 =	rddreg [dreg:$0x1e];
	s6 =	sadd.s32 s31, s2;
	v0 =	vld [tilespmem:s29+$0x0]  }
0x24d: {  	s15 =	sadd.s32 s22, s0;
	s13 =	sand.u32 $0x40, s5;
	s9 =	sand.u32 $0x50, s30;
	[tilespmem:s28+$0x410] =	vst v2;
	v3 =	vld [tilespmem:s6+$0x0]  }
0x24e: {  	s14 =	sand.u32 $0x60, s3;
	s5 =	rddreg [dreg:$0x1f];
	s3 =	sadd.s32 s13, s2;
	v2 =	vld [tilespmem:s12+$0x0];
	[tilespmem:s18+$0x1810] =	vst v4  }
0x24f: {  	s7 =	sadd.s32 s9, s2;
	s6 =	sadd.s32 s20, s10;
	s2 =	sadd.s32 s14, s2;
	v4 =	vld [tilespmem:s3+$0x0];
	[tilespmem:s28+$0x820] =	vst v1  }
0x250: {  	s12 =	sadd.s32 s23, s0;
	s30 =	sadd.s32 s21, s6;
	s3 =	rddreg [dreg:$0x14];
	[tilespmem:s17+$0x9600] =	vst v5;
	v5 =	vld [tilespmem:s7+$0x0]  }
0x251: {  	s4 =	sadd.s32 s24, s0;
	[tilespmem:s18+$0x1C00] =	vst v0;
	s0 =	sadd.s32 s11, s3;
	s28 =	sadd.s32 $0x40, s28;
	v1 =	vld [tilespmem:s30+$0x0]  }
0x252: {  	s10 =	sor.u32 s13, s11;
	s7 =	sadd.s32 s23, s6;
	v0 =	vld [tilespmem:s2+$0x0];
	[tilespmem:s28+$0xFFFFE020] =	vst v3;
	s30 =	sadd.s32 s31, s0  }
0x253: {  	s3 =	sadd.s32 s22, s6;
	[tilespmem:s16+$0x1C10] =	vst v2;
	s16 =	smov.u32 s19;
	s19 =	sadd.s32 s20, s5;
	v3 =	vld [tilespmem:s30+$0x0]  }
0x254: {  	s5 =	sadd.s32 s24, s6;
	s2 =	rddreg [dreg:$0x15];
	s17 =	sadd.s32 s13, s0;
	v2 =	vld [tilespmem:s12+$0x0];
	[tilespmem:s28+$0xFFFFDFF0] =	vst v4  }
0x255: {  	[smem:$0x7E6] =	sst s3;
	s3 =	sadd.s32 s9, s0;
	v4 =	vld [tilespmem:s17+$0x0];
	s17 =	sadd.s32 s23, s19;
	[tilespmem:s28+$0xFFFFE000] =	vst v5  }
0x256: {  	s30 =	sadd.s32 s21, s19;
	[smem:$0x7E7] =	sst s17;
	[tilespmem:s26+$0xC20] =	vst v1;
	s17 =	sadd.s32 s22, s19;
	v5 =	vld [tilespmem:s3+$0x0]  }
0x257: {  	s12 =	sadd.s32 s14, s0;
	s2 =	sadd.s32 s11, s2;
	[tilespmem:s28+$0xFFFFE010] =	vst v0;
	[smem:$0x7E8] =	sst s17;
	v1 =	vld [tilespmem:s30+$0x0]  }
0x258: {  	s19 =	sadd.s32 s24, s19;
	v0 =	vld [tilespmem:s12+$0x0];
	s17 =	smov.u32 s25;
	s30 =	sld [smem:$0x7ED];
	[tilespmem:s28+$0xFFFFE420] =	vst v3  }
0x259: {  	[smem:$0x7E9] =	sst s19;
	s25 =	smov.u32 s10;
	s19 =	sadd.s32 s31, s2;
	[tilespmem:s17+$0x8200] =	vst v2;
	v2 =	vld [tilespmem:s15+$0x0]  }
0x25a: {  	s0 =	smov.u32 s18;
	s18 =	smov.u32 s26;
	s6 =	sadd.s32 s13, s2;
	v3 =	vld [tilespmem:s19+$0x0];
	[tilespmem:s25+$0x5E00] =	vst v4  }
0x25b: {  	s10 =	sadd.s32 s9, s2;
	s26 =	sadd.s32 s20, s30;
	s30 =	smov.u32 s16;
	v4 =	vld [tilespmem:s6+$0x0];
	[tilespmem:s28+$0xFFFFE400] =	vst v5  }
0x25c: {  	[smem:$0x7EA] =	sst s30;
	s30 =	sadd.s32 s21, s26;
	[tilespmem:s18+$0x1020] =	vst v1;
	v5 =	vld [tilespmem:s10+$0x0]  }
0x25d: {  	s29 =	sadd.s32 s14, s2;
	s3 =	rddreg [dreg:$0x16];
	[tilespmem:s28+$0xFFFFE410] =	vst v0;
	v1 =	vld [tilespmem:s30+$0x0]  }
0x25e: {  	s16 =	sld [smem:$0x7EE];
	s6 =	sadd.s32 s11, s3;
	v0 =	vld [tilespmem:s29+$0x0];
	[tilespmem:s18+$0x800] =	vst v2  }
0x25f: {  	s19 =	sadd.s32 s31, s6;
	[tilespmem:s28+$0xFFFFE820] =	vst v3;
	v2 =	vld [tilespmem:s4+$0x0]  }
0x260: {  	s12 =	smov.u32 s28;
	s29 =	sadd.s32 s13, s6;
	v3 =	vld [tilespmem:s19+$0x0];
	[tilespmem:s25+$0x6200] =	vst v4  }
0x261: {  	[smem:$0x7EB] =	sst s12;
	s30 =	sadd.s32 s9, s6;
	s3 =	sadd.s32 s20, s16;
	v4 =	vld [tilespmem:s29+$0x0];
	[tilespmem:s28+$0xFFFFE800] =	vst v5  }
0x262: {  	s15 =	sadd.s32 s23, s26;
	s16 =	sadd.s32 s21, s3;
	s19 =	sld [smem:$0x7EF];
	[tilespmem:s18+$0x1420] =	vst v1;
	v5 =	vld [tilespmem:s30+$0x0]  }
0x263: {  	s2 =	sadd.s32 s22, s26;
	s4 =	sadd.s32 s14, s6;
	s29 =	rddreg [dreg:$0x17];
	[tilespmem:s28+$0xFFFFE810] =	vst v0;
	v1 =	vld [tilespmem:s16+$0x0]  }
0x264: {  	s12 =	sadd.s32 s24, s26;
	s26 =	sadd.s32 s23, s3;
	s29 =	sadd.s32 s11, s29;
	v0 =	vld [tilespmem:s4+$0x0];
	[tilespmem:s18+$0x810] =	vst v2  }
0x265: {  	s10 =	sadd.s32 s22, s3;
	s6 =	sadd.s32 s24, s3;
	v2 =	vld [tilespmem:s7+$0x0];
	[tilespmem:s28+$0xFFFFEC20] =	vst v3;
	s3 =	sadd.s32 s31, s29  }
0x266: {  	s19 =	sadd.s32 s20, s19;
	s4 =	sadd.s32 s13, s29;
	v3 =	vld [tilespmem:s3+$0x0];
	[tilespmem:s25+$0x6600] =	vst v4  }
0x267: {  	s20 =	smov.u32 s11;
	s7 =	sadd.s32 s23, s19;
	s30 =	sadd.s32 s9, s29;
	v4 =	vld [tilespmem:s4+$0x0];
	[tilespmem:s28+$0xFFFFEC00] =	vst v5  }
0x268: {  	s23 =	sadd.s32 s21, s19;
	s21 =	smov.u32 s31;
	s31 =	sld [smem:$0x7E6];
	[tilespmem:s18+$0x1820] =	vst v1;
	v5 =	vld [tilespmem:s30+$0x0]  }
0x269: {  	s16 =	sadd.s32 s14, s29;
	s29 =	sadd.s32 s22, s19;
	s4 =	rddreg [dreg:$0x18];
	[tilespmem:s28+$0xFFFFEC10] =	vst v0;
	v1 =	vld [tilespmem:s23+$0x0]  }
0x26a: {  	s19 =	sadd.s32 s24, s19;
	s24 =	smov.u32 s14;
	[tilespmem:s17+$0x8600] =	vst v2;
	s14 =	sadd.s32 s20, s4;
	v0 =	vld [tilespmem:s16+$0x0]  }
0x26b: {  	v2 =	vld [tilespmem:s31+$0x0];
	s23 =	smov.u32 s13;
	[tilespmem:s28+$0xFFFFF020] =	vst v3;
	s30 =	sadd.s32 s21, s14  }
0x26c: {  	s22 =	smov.u32 s9;
	s4 =	sadd.s32 s23, s14;
	v3 =	vld [tilespmem:s30+$0x0];
	[tilespmem:s25+$0x6A00] =	vst v4  }
0x26d: {  	s9 =	sadd.s32 s22, s14;
	s30 =	sld [smem:$0x7E7];
	v4 =	vld [tilespmem:s4+$0x0];
	[tilespmem:s28+$0xFFFFF000] =	vst v5  }
0x26e: {  	[tilespmem:s18+$0x1C20] =	vst v1;
	v5 =	vld [tilespmem:s9+$0x0]  }
0x26f: {  	s16 =	smov.u32 s0;
	s0 =	rddreg [dreg:$0x19];
	v1 =	vld [tilespmem:s5+$0x0];
	[tilespmem:s28+$0xFFFFF010] =	vst v0  }
0x270: {  	s3 =	sadd.s32 s24, s14;
	s11 =	sadd.s32 s20, s0;
	[tilespmem:s18+$0xC00] =	vst v2;
	v2 =	vld [tilespmem:s30+$0x0]  }
0x271: {  	s14 =	sadd.s32 s21, s11;
	s9 =	sld [smem:$0x7E8];
	v0 =	vld [tilespmem:s3+$0x0];
	[tilespmem:s28+$0xFFFFF420] =	vst v3  }
0x272: {  	s13 =	sadd.s32 s23, s11;
	v3 =	vld [tilespmem:s14+$0x0];
	[tilespmem:s25+$0x6E00] =	vst v4  }
0x273: {  	v4 =	vld [tilespmem:s13+$0x0];
	[tilespmem:s28+$0xFFFFF400] =	vst v5  }
0x274: {  	s4 =	sadd.s32 s22, s11;
	[tilespmem:s18+$0xC10] =	vst v1;
	v1 =	vld [tilespmem:s9+$0x0]  }
0x275: {  	s30 =	sld [smem:$0x7E9];
	[tilespmem:s17+$0x8A00] =	vst v2;
	v5 =	vld [tilespmem:s4+$0x0]  }
0x276: {  	s31 =	rddreg [dreg:$0x1a];
	s0 =	sadd.s32 s24, s11;
	[tilespmem:s28+$0xFFFFF410] =	vst v0  }
0x277: {  	s3 =	sadd.s32 s20, s31;
	v0 =	vld [tilespmem:s0+$0x0];
	[tilespmem:s28+$0xFFFFF820] =	vst v3  }
0x278: {  	s14 =	sadd.s32 s21, s3;
	v2 =	vld [tilespmem:s30+$0x0];
	[tilespmem:s25+$0x7200] =	vst v4  }
0x279: {  	s11 =	sadd.s32 s23, s3;
	v3 =	vld [tilespmem:s14+$0x0];
	[tilespmem:s18+$0x1000] =	vst v1  }
0x27a: {  	s13 =	sadd.s32 s22, s3;
	v4 =	vld [tilespmem:s11+$0x0];
	[tilespmem:s28+$0xFFFFF800] =	vst v5  }
0x27b: {  	v5 =	vld [tilespmem:s13+$0x0]  }
0x27c: {  	s31 =	rddreg [dreg:$0x1b];
	s3 =	sadd.s32 s24, s3;
	v1 =	vld [tilespmem:s15+$0x0];
	[tilespmem:s28+$0xFFFFF810] =	vst v0  }
0x27d: {  	s0 =	sadd.s32 s20, s31;
	v0 =	vld [tilespmem:s3+$0x0];
	[tilespmem:s18+$0x1010] =	vst v2  }
0x27e: {  	s11 =	sadd.s32 s21, s0;
	[tilespmem:s28+$0xFFFFFC20] =	vst v3;
	v2 =	vld [tilespmem:s2+$0x0]  }
0x27f: {  	s4 =	sadd.s32 s23, s0;
	v3 =	vld [tilespmem:s11+$0x0];
	[tilespmem:s25+$0x7600] =	vst v4  }
0x280: {  	s9 =	sadd.s32 s22, s0;
	v4 =	vld [tilespmem:s4+$0x0];
	[tilespmem:s28+$0xFFFFFC00] =	vst v5  }
0x281: {  	[tilespmem:s17+$0x8E00] =	vst v1;
	v6 =	vld [tilespmem:s9+$0x0]  }
0x282: {  	s0 =	sadd.s32 s24, s0;
	s13 =	rddreg [dreg:$0x1c];
	v5 =	vld [tilespmem:s12+$0x0];
	[tilespmem:s28+$0xFFFFFC10] =	vst v0  }
0x283: {  	s1 =	sadd.s32 $0x4, s1;
	s2 =	sadd.s32 s20, s13;
	[tilespmem:s18+$0x1400] =	vst v2;
	v7 =	vld [tilespmem:s0+$0x0]  }
0x284: {  	p0 =	slt.u32 s1, $0x3C;
	s30 =	sadd.s32 s21, s2;
	v8 =	vld [tilespmem:s26+$0x0];
	[tilespmem:s28+$0x20] =	vst v3  }
.Ltmp1:
0x285: {  	s14 =	sadd.s32 s23, s2;
	[tilespmem:s25+$0x7A00] =	vst v4;
	v4 =	vld [tilespmem:s30+$0x0];
	(pc) =	sbr.rel @p0 .LBB2_5-.Ltmp1, $4  }
0x286: {  	v1 =	vld [tilespmem:s14+$0x0];
	[tilespmem:s28+$0x0] =	vst v6  }
0x287: {  	s31 =	rddreg [dreg:$0x1d];
	s15 =	sadd.s32 s22, s2;
	[tilespmem:s18+$0x1410] =	vst v5;
	v0 =	vld [tilespmem:s10+$0x0]  }
0x288: {  	s2 =	sadd.s32 s24, s2;
	s12 =	sld [smem:$0x7EA];
	v3 =	vld [tilespmem:s15+$0x0];
	[tilespmem:s28+$0x10] =	vst v7  }
0x289: {  	s8 =	sadd.s32 $0x40, s8;
	s26 =	sld [smem:$0x7EB];
	s0 =	sadd.s32 s20, s31;
	[tilespmem:s17+$0x9200] =	vst v8;
	v2 =	vld [tilespmem:s2+$0x0]  }
0x28a: {  	[tilespmem:s28+$0x420] =	vst v4;
	s1 =	sadd.s32 s21, s0  }
0x28b: {  	v55 =	vld [tilespmem:s1+$0x0];
	_ =	sdelay $0x1  }
0x28c: {  	[tilespmem:s25+$0x7E00] =	vst v1  }
0x28d: {  	s9 =	rddreg [dreg:$0x1e]  }
0x28e: {  	s1 =	sadd.s32 s20, s9  }
0x28f: {  	s2 =	sadd.s32 s21, s1;
	[tilespmem:s28+$0x820] =	vst v55  }
0x290: {  	v1 =	vld [tilespmem:s2+$0x0]  }
0x291: {  	[tilespmem:s28+$0x400] =	vst v3  }
0x292: {  	[tilespmem:s28+$0x410] =	vst v2  }
0x293: {  	s10 =	rddreg [dreg:$0x1f]  }
0x294: {  	s2 =	sadd.s32 s20, s10  }
0x295: {  	s3 =	sadd.s32 s21, s2;
	[tilespmem:s26+$0xC20] =	vst v1  }
0x296: {  	v1 =	vld [tilespmem:s3+$0x0]  }
0x297: {  	s11 =	sld [smem:$0x7ED];
	_ =	sdelay $0x1  }
0x298: {  	s4 =	sadd.s32 s23, s0  }
0x299: {  	s13 =	sadd.s32 s22, s0;
	v56 =	vld [tilespmem:s4+$0x0];
	s3 =	sadd.s32 s20, s11  }
0x29a: {  	v3 =	vld [tilespmem:s13+$0x0];
	s14 =	sadd.s32 s21, s3;
	[tilespmem:s26+$0x1020] =	vst v1  }
0x29b: {  	s15 =	sadd.s32 s24, s0;
	v1 =	vld [tilespmem:s14+$0x0]  }
0x29c: {  	v57 =	vld [tilespmem:s15+$0x0];
	_ =	sdelay $0x1  }
0x29d: {  	s28 =	sadd.s32 s23, s1;
	[tilespmem:s25+$0x8200] =	vst v56  }
0x29e: {  	v58 =	vld [tilespmem:s28+$0x0];
	s30 =	sld [smem:$0x7EE];
	[tilespmem:s26+$0x800] =	vst v3  }
0x29f: {  	s31 =	sadd.s32 s22, s1;
	[tilespmem:s26+$0x1420] =	vst v1  }
0x2a0: {  	s1 =	sadd.s32 s24, s1;
	v59 =	vld [tilespmem:s31+$0x0];
	s5 =	sld [smem:$0x7EF];
	[tilespmem:s26+$0x810] =	vst v57  }
0x2a1: {  	v2 =	vld [tilespmem:s1+$0x0];
	_ =	sdelay $0x1  }
0x2a2: {  	s8 =	sadd.s32 s23, s2;
	[tilespmem:s25+$0x8600] =	vst v58  }
0x2a3: {  	v60 =	vld [tilespmem:s8+$0x0]  }
0x2a4: {  	s9 =	sadd.s32 s22, s2;
	[tilespmem:s26+$0xC00] =	vst v59  }
0x2a5: {  	s10 =	sadd.s32 s24, s2;
	v1 =	vld [tilespmem:s9+$0x0];
	[tilespmem:s26+$0xC10] =	vst v2  }
0x2a6: {  	v2 =	vld [tilespmem:s10+$0x0];
	_ =	sdelay $0x1  }
0x2a7: {  	v61 =	vld [tilespmem:s7+$0x0];
	s11 =	sadd.s32 s23, s3;
	[tilespmem:s25+$0x8A00] =	vst v60  }
0x2a8: {  	v3 =	vld [tilespmem:s11+$0x0]  }
0x2a9: {  	v5 =	vld [tilespmem:s12+$0x0];
	s12 =	sadd.s32 s22, s3;
	[tilespmem:s26+$0x1000] =	vst v1  }
0x2aa: {  	s13 =	sadd.s32 s24, s3;
	v1 =	vld [tilespmem:s12+$0x0];
	[tilespmem:s26+$0x1010] =	vst v2  }
0x2ab: {  	[tilespmem:s18+$0x1800] =	vst v0;
	s0 =	sadd.s32 s20, s30;
	v2 =	vld [tilespmem:s13+$0x0]  }
0x2ac: {  	v62 =	vld [tilespmem:s6+$0x0];
	[tilespmem:s17+$0x9600] =	vst v61;
	s15 =	sadd.s32 s21, s0  }
0x2ad: {  	s14 =	sadd.s32 s23, s0;
	v63 =	vld [tilespmem:s15+$0x0];
	[tilespmem:s25+$0x8E00] =	vst v3  }
0x2ae: {  	[tilespmem:s16+$0x1C10] =	vst v5;
	v3 =	vld [tilespmem:s14+$0x0]  }
0x2af: {  	v0 =	vld [tilespmem:s29+$0x0];
	s16 =	sadd.s32 s22, s0;
	[tilespmem:s26+$0x1400] =	vst v1  }
0x2b0: {  	s0 =	sadd.s32 s24, s0;
	v1 =	vld [tilespmem:s16+$0x0];
	[tilespmem:s26+$0x1410] =	vst v2  }
0x2b1: {  	[tilespmem:s18+$0x1810] =	vst v62;
	s17 =	sadd.s32 s20, s5;
	v2 =	vld [tilespmem:s0+$0x0]  }
0x2b2: {  	v4 =	vld [tilespmem:s19+$0x0];
	s21 =	sadd.s32 s21, s17;
	[tilespmem:s26+$0x1820] =	vst v63  }
0x2b3: {  	s20 =	sadd.s32 s23, s17;
	v5 =	vld [tilespmem:s21+$0x0];
	[tilespmem:s25+$0x9200] =	vst v3  }
0x2b4: {  	[tilespmem:s18+$0x1C00] =	vst v0;
	v3 =	vld [tilespmem:s20+$0x0]  }
0x2b5: {  	s22 =	sadd.s32 s22, s17;
	[tilespmem:s26+$0x1800] =	vst v1  }
0x2b6: {  	s23 =	sadd.s32 s24, s17;
	v1 =	vld [tilespmem:s22+$0x0];
	[tilespmem:s26+$0x1810] =	vst v2  }
0x2b7: {  	[tilespmem:s18+$0x1C10] =	vst v4;
	v2 =	vld [tilespmem:s23+$0x0]  }
0x2b8: {  	[tilespmem:s26+$0x1C20] =	vst v5  }
0x2b9: {  	[tilespmem:s25+$0x9600] =	vst v3  }
0x2ba: {  	s24 =	sld [smem:$0x7FB]  }
0x2bb: {  	s25 =	sld [smem:$0x7EC];
	[tilespmem:s26+$0x1C00] =	vst v1  }
0x2bc: {  	[tilespmem:s26+$0x1C10] =	vst v2  }
0x2bd: {  	s31 =	sld [smem:$0x7F6];
	_ =	sdelay $0x2  }
0x2be: {  	s1 =	sadd.s32 $0x1, s31  }
0x2bf: {  	p0 =	sne.s32 s1, $0x10  }
.Ltmp2:
0x2c0: {  	s28 =	sld [smem:$0x7FA];
	(pc) =	sbr.rel @p0 .LBB2_2-.Ltmp2, $4  }
0x2c1: {  	s0 =	sadd.s32 s24, s25  }
0x2c2: {  	s0 =	sshll.u32 s0, $0x7  }
0x2c3: {  	s29 =	simm.s32 $0x0;
	s30 =	simm.s32 $0x5A00;
	s0 =	sadd.s32 s28, s0  }
0x2c4: {  	[hbm4b:s0+s29] =	stream.linear.scatter [tilespmem:s30], [sflag:$0x2], $0x4000, $0x38;
	[tilespmem:$0x9A00] =	vst v63  }
0x2c5: {  	s0 =	simm.s32 $0x1  }
0x2c6: {  	_ =	swait.ge [sflag:s0], $0x4000  }
0x2c7: {  	[sflag:s0] =	ssyncset.done $0x0  }
0x2c8: {  	s1 =	simm.s32 $0x2;
	[sflag:s0] =	ssyncadd.s32 $0xFFFFC000  }
0x2c9: {  	_ =	swait.ge [sflag:s1], $0x4000  }
0x2ca: {  	s2 =	sld [smem:$0x7F8]  }
0x2cb: {  	s31 =	sld [smem:$0x7FD];
	_ =	sdelay $0x1  }
0x2cc: {  	s2 =	sadd.s32 $0x1, s2  }
0x2cd: {  	p0 =	sne.s32 s2, s31  }
.Ltmp3:
0x2ce: {  	_ = 	snop;
	(pc) =	sbr.rel @p0 .LBB2_1-.Ltmp3, $3  }
0x2cf: {  	_ =	sdelay $0x1  }
0x2d0: {  	[sflag:s1] =	ssyncset.done $0x0  }
0x2d1: {  	[sflag:s1] =	ssyncadd.s32 $0xFFFFC000  }
0x2d2: {  	_ =	sfence.sel $0x180000  }
0x2d3: {  	[bflag:$0x0] =	sbarrier.arrive $0xFFFF  }
0x2d4: {  	_ =	strace $0x90000047  }
0x2d5: {  	s0 =	stileid.u32;
	[bflag:$0x2] =	sbarrier.arrive $0xFFFF  }
0x2d6: {  	p0 =	sne.s32 s0, $0x0;
	s0 =	rddreg [dreg:$0x2]  }
0x2d7: {  	s0 =	sadd.s32 @!p0 $0x100000, s0  }
0x2d8: {  	[sflag:s0] =	ssyncadd.tile.s32 @!p0 $0x1;
	_ =	shalt  }
.Lfunc_end2:
_tile_overlayer_lowered:
.L_overlay_start_2:
0x2d9: {  	(tag) =	ssettag $0x2  }
0x2da: {  	s0 =	rddreg [dreg:$0x0];
	s2 =	stileid.u32  }
0x2db: {  	s1 =	rddreg [dreg:$0x1];
	p0 =	sne.s32 s2, $0x0  }
0x2dc: {  	s3 =	rddreg [dreg:$0x2];
	[bflag:$0x3] =	sbarrier.arrive $0xFFFF;
	s2 =	simm.s32 @!p0 $0x1C03  }
0x2dd: {  	[timem:s3], [sflag:s2] =	dma.local @!p0 [hbm:s0], s1  }
0x2de: {  	s0 =	simm.s32 @!p0 $0x3  }
0x2df: {  	_ =	swait.ge @!p0 [sflag:s0], s1  }
0x2e0: {  	s1 =	ssub.s32 @!p0 $0x0, s1;
	[sflag:s0] =	ssyncset.done @!p0 $0x0  }
0x2e1: {  	[sflag:s0] =	ssyncadd.s32 @!p0 s1  }
0x2e2: {  	[bflag:$0x3] =	sbarrier.arrive $0xFFFF  }
0x2e3: {  	_ =	shalt  }

</sc_bundles>
